<compile_context>
chip_gen: v7x
topology: tpu7x:2x2x1
jax: 0.10.2.dev20260603
libtpu: 0.0.44.dev20260713+nightly
codegen_flags: <defaults>
</compile_context>

<pallas_src>
import jax
import jax.numpy as jnp
from jax import lax
from jax.experimental import pallas as pl
from jax.experimental.pallas import tpu as pltpu
from jax.experimental.pallas import tpu_sc as plsc

N = 2048
H = 12
HP = 16
NBUCKETS = 32
D = 2 * N
BI = 1024

_THRESHOLDS = (12, 16, 23, 32, 46, 64, 91)

_SC_WORKERS = 32
_SC_CHUNK = D // _SC_WORKERS
_SC_NC = 2


def _diag_sc_body(tableP_hbm, diagT_hbm, idx_v, rows_v, sem):
    c = lax.axis_index("c")
    s = lax.axis_index("s")
    base = (s * _SC_NC + c) * _SC_CHUNK
    for j in range(_SC_CHUNK // 16):
        p = base + j * 16 + lax.iota(jnp.int32, 16)
        d = p - (N - 1)
        nneg = -d
        na = jnp.abs(nneg)
        one = jnp.full((16,), 1, jnp.int32)
        zero = jnp.full((16,), 0, jnp.int32)
        large = jnp.full((16,), 8, jnp.int32)
        for t in _THRESHOLDS:
            large = large + jnp.where(na >= t, one, zero)
        bucket = jnp.where(na < 8, na, large) + jnp.where(
            nneg < 0, jnp.full((16,), 16, jnp.int32), zero
        )
        idx_v[pl.ds(j * 16, 16)] = bucket
    pltpu.async_copy(tableP_hbm.at[idx_v], rows_v, sem).wait()
    pltpu.sync_copy(rows_v, diagT_hbm.at[pl.ds(base, _SC_CHUNK), :])


_diag_sc = pl.kernel(
    _diag_sc_body,
    out_type=jax.ShapeDtypeStruct((D, HP), jnp.float32),
    mesh=plsc.VectorSubcoreMesh(core_axis_name="c", subcore_axis_name="s"),
    scratch_types=[
        pltpu.VMEM((_SC_CHUNK,), jnp.int32),
        pltpu.VMEM((_SC_CHUNK, HP), jnp.float32),
        pltpu.SemaphoreType.DMA,
    ],
    compiler_params=pltpu.CompilerParams(use_tc_tiling_on_sc=False),
)


def _expand_tc_body(diagT_ref, out_ref, rot_ref, diag_all_ref):
    h = pl.program_id(0)
    ib = pl.program_id(1)

    @pl.when((h == 0) & (ib == 0))
    def _transpose_and_mask():
        dall = jnp.transpose(diagT_ref[...], (1, 0))
        p = jax.lax.broadcasted_iota(jnp.int32, (1, D), 1)
        d = p - (N - 1)
        mask = -(((d > 32) | (d < -32)).astype(jnp.float32) * 100000000.0)
        diag_all_ref[...] = dall + jnp.broadcast_to(mask, (HP, D))

    @pl.when(ib == 0)
    def _build_rotations():
        bc = jnp.broadcast_to(diag_all_ref[pl.ds(h, 1), :], (128, D))
        rot_ref[...] = pltpu.roll(bc, D - 127, 1, stride=1, stride_axis=0)

    for g in range(BI // 128):
        a = pl.multiple_of((N - 1 - 127) - (ib * BI + g * 128), 128)
        out_ref[0, g * 128:(g + 1) * 128, :] = rot_ref[:, pl.ds(a, N)]


@jax.jit
def _bias_impl(table):
    tableP = jnp.pad(table, ((0, 0), (0, HP - H)))
    diagT = _diag_sc(tableP)
    return pl.pallas_call(
        _expand_tc_body,
        grid=(H, N // BI),
        in_specs=[pl.BlockSpec((D, HP), lambda h, ib: (0, 0))],
        out_specs=pl.BlockSpec((1, BI, N), lambda h, ib: (h, ib, 0)),
        out_shape=jax.ShapeDtypeStruct((H, N, N), jnp.float32),
        scratch_shapes=[
            pltpu.VMEM((128, D), jnp.float32),
            pltpu.VMEM((HP, D), jnp.float32),
        ],
        compiler_params=pltpu.CompilerParams(
            dimension_semantics=("arbitrary", "arbitrary"),
        ),
    )(diagT)


def kernel(n, table):
    del n
    return _bias_impl(table)

# --- scband reference (transcript-rebuilt; emitter-appended) ---
"""Pipeline reference for scband-relative-position-bias-42743514530432 (READ-ONLY COPY).

The authoritative reference and input builder live on the scoring server;
editing this copy changes nothing except your own understanding.
"""

import jax, jax.numpy as jnp
import numpy as np
import math

NUM_BUCKETS = 32
MAX_DISTANCE = 128
HEADS = 12

def _relative_position_bucket(relative_position, num_buckets=NUM_BUCKETS, max_distance=MAX_DISTANCE):
    n = -relative_position
    num_buckets = num_buckets // 2
    ret = (n < 0).astype(jnp.int32) * num_buckets
    n = jnp.abs(n)
    max_exact = num_buckets // 2
    is_small = n < max_exact
    val_if_large = max_exact + (jnp.log(n.astype(jnp.float32) / max_exact) / math.log(max_distance / max_exact) * (num_buckets - max_exact)).astype(jnp.int32)
    val_if_large = jnp.minimum(val_if_large, jnp.full_like(val_if_large, num_buckets - 1))
    return ret + jnp.where(is_small, n, val_if_large)

N_STATIC = 2048

def setup_inputs(seed: int = 0) -> dict:
    key = jax.random.key(seed)
    table = jax.random.normal(key, (NUM_BUCKETS, HEADS), dtype=jnp.float32)
    return {"n": 2048, "table": table}

def reference(n, table):
    n_residual = jnp.asarray(n, dtype=jnp.int32) - N_STATIC
    q_pos = jnp.arange(N_STATIC, dtype=jnp.int32) + n_residual
    k_pos = jnp.arange(N_STATIC, dtype=jnp.int32) + n_residual
    rel_pos = k_pos[None, :] - q_pos[:, None]  # [n, n]
    rp_bucket = _relative_position_bucket(rel_pos)  # [n, n] int
    mask = -(((rel_pos > 32) | (rel_pos < -32)).astype(jnp.float32) * 100000000.0)  # [n, n]
    values = jnp.take(table, rp_bucket, axis=0)  # [n, n, h] embedding gather
    out = jnp.transpose(values, (2, 0, 1)) + mask[None, :, :]  # [h, n, n]
    return out

if __name__ == "__main__":
    import jax
    _d = setup_inputs()
    print(jax.jit(kernel)(*tuple(_d.values())))

</pallas_src>

<mosaic_0001>
#map = affine_map<(d0, d1) -> (0, 0)>
module attributes {stable_mosaic.version = 14 : i64} {
  func.func @_diag_sc_body(%arg0: i32, %arg1: i32, %arg2: memref<32x16xf32, #tpu.memory_space<hbm>>, %arg3: memref<4096x16xf32, #tpu.memory_space<hbm>>, %arg4: memref<128xi32, #tpu.memory_space<vmem>>, %arg5: memref<128x16xf32, #tpu.memory_space<vmem>>, %arg6: memref<!tpu.dma_semaphore, #tpu.memory_space<semaphore_mem>>) attributes {dimension_semantics = [#tpu.dimension_semantics<core_parallel>, #tpu.dimension_semantics<subcore_parallel>], iteration_bounds = array<i64: 2, 16>, scalar_prefetch = 0 : i64, scratch_operands = 3 : i64, tpu.core_type = #tpu.core_type<sc_vector_subcore>, window_params = [{transform_indices = #map}, {transform_indices = #map}]} {
    %mul3A = arith.constant 2 : i32
    %mul3A_0 = arith.muli %arg1, %mul3A : i32
    %add3A = arith.addi %mul3A_0, %arg0 : i32
    %mul3A_1 = arith.constant 128 : i32
    %mul3A_2 = arith.muli %add3A, %mul3A_1 : i32
    %add3A_3 = arith.constant 0 : i32
    %add3A_4 = arith.addi %mul3A_2, %add3A_3 : i32
    %iota3A = tpu.iota {dimensions = array<i32: 0>} : vector<16xi32>
    %add3A_5 = vector.broadcast %add3A_4 : i32 to vector<16xi32>
    %add3A_6 = arith.addi %add3A_5, %iota3A : vector<16xi32>
    %sub3A = arith.constant 2047 : i32
    %sub3A_7 = vector.broadcast %sub3A : i32 to vector<16xi32>
    %sub3A_8 = arith.subi %add3A_6, %sub3A_7 : vector<16xi32>
    %neg3A = arith.constant 0 : i32
    %neg3A_9 = vector.broadcast %neg3A : i32 to vector<16xi32>
    %neg3A_10 = arith.subi %neg3A_9, %sub3A_8 : vector<16xi32>
    %abs3A = math.absi %neg3A_10 : vector<16xi32>
    %broadcast_in_dim3A = arith.constant 1 : i32
    %broadcast_in_dim3A_11 = vector.broadcast %broadcast_in_dim3A : i32 to vector<16xi32>
    %broadcast_in_dim3A_12 = arith.constant 0 : i32
    %broadcast_in_dim3A_13 = vector.broadcast %broadcast_in_dim3A_12 : i32 to vector<16xi32>
    %broadcast_in_dim3A_14 = arith.constant 8 : i32
    %broadcast_in_dim3A_15 = vector.broadcast %broadcast_in_dim3A_14 : i32 to vector<16xi32>
    %ge3A = arith.constant 12 : i32
    %ge3A_16 = vector.broadcast %ge3A : i32 to vector<16xi32>
    %ge3A_17 = arith.cmpi sge, %abs3A, %ge3A_16 : vector<16xi32>
    %select_n3A = arith.select %ge3A_17, %broadcast_in_dim3A_11, %broadcast_in_dim3A_13 : vector<16xi1>, vector<16xi32>
    %add3A_18 = arith.addi %broadcast_in_dim3A_15, %select_n3A : vector<16xi32>
    %ge3A_19 = arith.constant 16 : i32
    %ge3A_20 = vector.broadcast %ge3A_19 : i32 to vector<16xi32>
    %ge3A_21 = arith.cmpi sge, %abs3A, %ge3A_20 : vector<16xi32>
    %select_n3A_22 = arith.select %ge3A_21, %broadcast_in_dim3A_11, %broadcast_in_dim3A_13 : vector<16xi1>, vector<16xi32>
    %add3A_23 = arith.addi %add3A_18, %select_n3A_22 : vector<16xi32>
    %ge3A_24 = arith.constant 23 : i32
    %ge3A_25 = vector.broadcast %ge3A_24 : i32 to vector<16xi32>
    %ge3A_26 = arith.cmpi sge, %abs3A, %ge3A_25 : vector<16xi32>
    %select_n3A_27 = arith.select %ge3A_26, %broadcast_in_dim3A_11, %broadcast_in_dim3A_13 : vector<16xi1>, vector<16xi32>
    %add3A_28 = arith.addi %add3A_23, %select_n3A_27 : vector<16xi32>
    %ge3A_29 = arith.constant 32 : i32
    %ge3A_30 = vector.broadcast %ge3A_29 : i32 to vector<16xi32>
    %ge3A_31 = arith.cmpi sge, %abs3A, %ge3A_30 : vector<16xi32>
    %select_n3A_32 = arith.select %ge3A_31, %broadcast_in_dim3A_11, %broadcast_in_dim3A_13 : vector<16xi1>, vector<16xi32>
    %add3A_33 = arith.addi %add3A_28, %select_n3A_32 : vector<16xi32>
    %ge3A_34 = arith.constant 46 : i32
    %ge3A_35 = vector.broadcast %ge3A_34 : i32 to vector<16xi32>
    %ge3A_36 = arith.cmpi sge, %abs3A, %ge3A_35 : vector<16xi32>
    %select_n3A_37 = arith.select %ge3A_36, %broadcast_in_dim3A_11, %broadcast_in_dim3A_13 : vector<16xi1>, vector<16xi32>
    %add3A_38 = arith.addi %add3A_33, %select_n3A_37 : vector<16xi32>
    %ge3A_39 = arith.constant 64 : i32
    %ge3A_40 = vector.broadcast %ge3A_39 : i32 to vector<16xi32>
    %ge3A_41 = arith.cmpi sge, %abs3A, %ge3A_40 : vector<16xi32>
    %select_n3A_42 = arith.select %ge3A_41, %broadcast_in_dim3A_11, %broadcast_in_dim3A_13 : vector<16xi1>, vector<16xi32>
    %add3A_43 = arith.addi %add3A_38, %select_n3A_42 : vector<16xi32>
    %ge3A_44 = arith.constant 91 : i32
    %ge3A_45 = vector.broadcast %ge3A_44 : i32 to vector<16xi32>
    %ge3A_46 = arith.cmpi sge, %abs3A, %ge3A_45 : vector<16xi32>
    %select_n3A_47 = arith.select %ge3A_46, %broadcast_in_dim3A_11, %broadcast_in_dim3A_13 : vector<16xi1>, vector<16xi32>
    %add3A_48 = arith.addi %add3A_43, %select_n3A_47 : vector<16xi32>
    %lt3A = arith.constant 8 : i32
    %lt3A_49 = vector.broadcast %lt3A : i32 to vector<16xi32>
    %lt3A_50 = arith.cmpi slt, %abs3A, %lt3A_49 : vector<16xi32>
    %select_n3A_51 = arith.select %lt3A_50, %abs3A, %add3A_48 : vector<16xi1>, vector<16xi32>
    %lt3A_52 = arith.constant 0 : i32
    %lt3A_53 = vector.broadcast %lt3A_52 : i32 to vector<16xi32>
    %lt3A_54 = arith.cmpi slt, %neg3A_10, %lt3A_53 : vector<16xi32>
    %broadcast_in_dim3A_55 = arith.constant 16 : i32
    %broadcast_in_dim3A_56 = vector.broadcast %broadcast_in_dim3A_55 : i32 to vector<16xi32>
    %select_n3A_57 = arith.select %lt3A_54, %broadcast_in_dim3A_56, %broadcast_in_dim3A_13 : vector<16xi1>, vector<16xi32>
    %add3A_58 = arith.addi %select_n3A_51, %select_n3A_57 : vector<16xi32>
    %swap3A = arith.constant 0 : index
    %swap3A_59 = tpu.vector_load %arg4[%swap3A] {strides = array<i32>} : memref<128xi32, #tpu.memory_space<vmem>>, vector<16xi32>,
    %swap3A_60 = vector.shape_cast %swap3A_59 : vector<16xi32> to vector<16xi32>
    %swap3A_61 = vector.shape_cast %add3A_58 : vector<16xi32> to vector<16xi32>
    tpu.vector_store %arg4[%swap3A], %swap3A_61 {strides = array<i32>} : memref<128xi32, #tpu.memory_space<vmem>>, vector<16xi32>,
    %add3A_62 = arith.constant 16 : i32
    %add3A_63 = arith.addi %mul3A_2, %add3A_62 : i32
    %iota3A_64 = tpu.iota {dimensions = array<i32: 0>} : vector<16xi32>
    %add3A_65 = vector.broadcast %add3A_63 : i32 to vector<16xi32>
    %add3A_66 = arith.addi %add3A_65, %iota3A_64 : vector<16xi32>
    %sub3A_67 = arith.constant 2047 : i32
    %sub3A_68 = vector.broadcast %sub3A_67 : i32 to vector<16xi32>
    %sub3A_69 = arith.subi %add3A_66, %sub3A_68 : vector<16xi32>
    %neg3A_70 = arith.constant 0 : i32
    %neg3A_71 = vector.broadcast %neg3A_70 : i32 to vector<16xi32>
    %neg3A_72 = arith.subi %neg3A_71, %sub3A_69 : vector<16xi32>
    %abs3A_73 = math.absi %neg3A_72 : vector<16xi32>
    %broadcast_in_dim3A_74 = arith.constant 1 : i32
    %broadcast_in_dim3A_75 = vector.broadcast %broadcast_in_dim3A_74 : i32 to vector<16xi32>
    %broadcast_in_dim3A_76 = arith.constant 0 : i32
    %broadcast_in_dim3A_77 = vector.broadcast %broadcast_in_dim3A_76 : i32 to vector<16xi32>
    %broadcast_in_dim3A_78 = arith.constant 8 : i32
    %broadcast_in_dim3A_79 = vector.broadcast %broadcast_in_dim3A_78 : i32 to vector<16xi32>
    %ge3A_80 = arith.constant 12 : i32
    %ge3A_81 = vector.broadcast %ge3A_80 : i32 to vector<16xi32>
    %ge3A_82 = arith.cmpi sge, %abs3A_73, %ge3A_81 : vector<16xi32>
    %select_n3A_83 = arith.select %ge3A_82, %broadcast_in_dim3A_75, %broadcast_in_dim3A_77 : vector<16xi1>, vector<16xi32>
    %add3A_84 = arith.addi %broadcast_in_dim3A_79, %select_n3A_83 : vector<16xi32>
    %ge3A_85 = arith.constant 16 : i32
    %ge3A_86 = vector.broadcast %ge3A_85 : i32 to vector<16xi32>
    %ge3A_87 = arith.cmpi sge, %abs3A_73, %ge3A_86 : vector<16xi32>
    %select_n3A_88 = arith.select %ge3A_87, %broadcast_in_dim3A_75, %broadcast_in_dim3A_77 : vector<16xi1>, vector<16xi32>
    %add3A_89 = arith.addi %add3A_84, %select_n3A_88 : vector<16xi32>
    %ge3A_90 = arith.constant 23 : i32
    %ge3A_91 = vector.broadcast %ge3A_90 : i32 to vector<16xi32>
    %ge3A_92 = arith.cmpi sge, %abs3A_73, %ge3A_91 : vector<16xi32>
    %select_n3A_93 = arith.select %ge3A_92, %broadcast_in_dim3A_75, %broadcast_in_dim3A_77 : vector<16xi1>, vector<16xi32>
    %add3A_94 = arith.addi %add3A_89, %select_n3A_93 : vector<16xi32>
    %ge3A_95 = arith.constant 32 : i32
    %ge3A_96 = vector.broadcast %ge3A_95 : i32 to vector<16xi32>
    %ge3A_97 = arith.cmpi sge, %abs3A_73, %ge3A_96 : vector<16xi32>
    %select_n3A_98 = arith.select %ge3A_97, %broadcast_in_dim3A_75, %broadcast_in_dim3A_77 : vector<16xi1>, vector<16xi32>
    %add3A_99 = arith.addi %add3A_94, %select_n3A_98 : vector<16xi32>
    %ge3A_100 = arith.constant 46 : i32
    %ge3A_101 = vector.broadcast %ge3A_100 : i32 to vector<16xi32>
    %ge3A_102 = arith.cmpi sge, %abs3A_73, %ge3A_101 : vector<16xi32>
    %select_n3A_103 = arith.select %ge3A_102, %broadcast_in_dim3A_75, %broadcast_in_dim3A_77 : vector<16xi1>, vector<16xi32>
    %add3A_104 = arith.addi %add3A_99, %select_n3A_103 : vector<16xi32>
    %ge3A_105 = arith.constant 64 : i32
    %ge3A_106 = vector.broadcast %ge3A_105 : i32 to vector<16xi32>
    %ge3A_107 = arith.cmpi sge, %abs3A_73, %ge3A_106 : vector<16xi32>
    %select_n3A_108 = arith.select %ge3A_107, %broadcast_in_dim3A_75, %broadcast_in_dim3A_77 : vector<16xi1>, vector<16xi32>
    %add3A_109 = arith.addi %add3A_104, %select_n3A_108 : vector<16xi32>
    %ge3A_110 = arith.constant 91 : i32
    %ge3A_111 = vector.broadcast %ge3A_110 : i32 to vector<16xi32>
    %ge3A_112 = arith.cmpi sge, %abs3A_73, %ge3A_111 : vector<16xi32>
    %select_n3A_113 = arith.select %ge3A_112, %broadcast_in_dim3A_75, %broadcast_in_dim3A_77 : vector<16xi1>, vector<16xi32>
    %add3A_114 = arith.addi %add3A_109, %select_n3A_113 : vector<16xi32>
    %lt3A_115 = arith.constant 8 : i32
    %lt3A_116 = vector.broadcast %lt3A_115 : i32 to vector<16xi32>
    %lt3A_117 = arith.cmpi slt, %abs3A_73, %lt3A_116 : vector<16xi32>
    %select_n3A_118 = arith.select %lt3A_117, %abs3A_73, %add3A_114 : vector<16xi1>, vector<16xi32>
    %lt3A_119 = arith.constant 0 : i32
    %lt3A_120 = vector.broadcast %lt3A_119 : i32 to vector<16xi32>
    %lt3A_121 = arith.cmpi slt, %neg3A_72, %lt3A_120 : vector<16xi32>
    %broadcast_in_dim3A_122 = arith.constant 16 : i32
    %broadcast_in_dim3A_123 = vector.broadcast %broadcast_in_dim3A_122 : i32 to vector<16xi32>
    %select_n3A_124 = arith.select %lt3A_121, %broadcast_in_dim3A_123, %broadcast_in_dim3A_77 : vector<16xi1>, vector<16xi32>
    %add3A_125 = arith.addi %select_n3A_118, %select_n3A_124 : vector<16xi32>
    %swap3A_126 = arith.constant 16 : index
    %swap3A_127 = tpu.vector_load %arg4[%swap3A_126] {strides = array<i32>} : memref<128xi32, #tpu.memory_space<vmem>>, vector<16xi32>,
    %swap3A_128 = vector.shape_cast %swap3A_127 : vector<16xi32> to vector<16xi32>
    %swap3A_129 = vector.shape_cast %add3A_125 : vector<16xi32> to vector<16xi32>
    tpu.vector_store %arg4[%swap3A_126], %swap3A_129 {strides = array<i32>} : memref<128xi32, #tpu.memory_space<vmem>>, vector<16xi32>,
    %add3A_130 = arith.constant 32 : i32
    %add3A_131 = arith.addi %mul3A_2, %add3A_130 : i32
    %iota3A_132 = tpu.iota {dimensions = array<i32: 0>} : vector<16xi32>
    %add3A_133 = vector.broadcast %add3A_131 : i32 to vector<16xi32>
    %add3A_134 = arith.addi %add3A_133, %iota3A_132 : vector<16xi32>
    %sub3A_135 = arith.constant 2047 : i32
    %sub3A_136 = vector.broadcast %sub3A_135 : i32 to vector<16xi32>
    %sub3A_137 = arith.subi %add3A_134, %sub3A_136 : vector<16xi32>
    %neg3A_138 = arith.constant 0 : i32
    %neg3A_139 = vector.broadcast %neg3A_138 : i32 to vector<16xi32>
    %neg3A_140 = arith.subi %neg3A_139, %sub3A_137 : vector<16xi32>
    %abs3A_141 = math.absi %neg3A_140 : vector<16xi32>
    %broadcast_in_dim3A_142 = arith.constant 1 : i32
    %broadcast_in_dim3A_143 = vector.broadcast %broadcast_in_dim3A_142 : i32 to vector<16xi32>
    %broadcast_in_dim3A_144 = arith.constant 0 : i32
    %broadcast_in_dim3A_145 = vector.broadcast %broadcast_in_dim3A_144 : i32 to vector<16xi32>
    %broadcast_in_dim3A_146 = arith.constant 8 : i32
    %broadcast_in_dim3A_147 = vector.broadcast %broadcast_in_dim3A_146 : i32 to vector<16xi32>
    %ge3A_148 = arith.constant 12 : i32
    %ge3A_149 = vector.broadcast %ge3A_148 : i32 to vector<16xi32>
    %ge3A_150 = arith.cmpi sge, %abs3A_141, %ge3A_149 : vector<16xi32>
    %select_n3A_151 = arith.select %ge3A_150, %broadcast_in_dim3A_143, %broadcast_in_dim3A_145 : vector<16xi1>, vector<16xi32>
    %add3A_152 = arith.addi %broadcast_in_dim3A_147, %select_n3A_151 : vector<16xi32>
    %ge3A_153 = arith.constant 16 : i32
    %ge3A_154 = vector.broadcast %ge3A_153 : i32 to vector<16xi32>
    %ge3A_155 = arith.cmpi sge, %abs3A_141, %ge3A_154 : vector<16xi32>
    %select_n3A_156 = arith.select %ge3A_155, %broadcast_in_dim3A_143, %broadcast_in_dim3A_145 : vector<16xi1>, vector<16xi32>
    %add3A_157 = arith.addi %add3A_152, %select_n3A_156 : vector<16xi32>
    %ge3A_158 = arith.constant 23 : i32
    %ge3A_159 = vector.broadcast %ge3A_158 : i32 to vector<16xi32>
    %ge3A_160 = arith.cmpi sge, %abs3A_141, %ge3A_159 : vector<16xi32>
    %select_n3A_161 = arith.select %ge3A_160, %broadcast_in_dim3A_143, %broadcast_in_dim3A_145 : vector<16xi1>, vector<16xi32>
    %add3A_162 = arith.addi %add3A_157, %select_n3A_161 : vector<16xi32>
    %ge3A_163 = arith.constant 32 : i32
    %ge3A_164 = vector.broadcast %ge3A_163 : i32 to vector<16xi32>
    %ge3A_165 = arith.cmpi sge, %abs3A_141, %ge3A_164 : vector<16xi32>
    %select_n3A_166 = arith.select %ge3A_165, %broadcast_in_dim3A_143, %broadcast_in_dim3A_145 : vector<16xi1>, vector<16xi32>
    %add3A_167 = arith.addi %add3A_162, %select_n3A_166 : vector<16xi32>
    %ge3A_168 = arith.constant 46 : i32
    %ge3A_169 = vector.broadcast %ge3A_168 : i32 to vector<16xi32>
    %ge3A_170 = arith.cmpi sge, %abs3A_141, %ge3A_169 : vector<16xi32>
    %select_n3A_171 = arith.select %ge3A_170, %broadcast_in_dim3A_143, %broadcast_in_dim3A_145 : vector<16xi1>, vector<16xi32>
    %add3A_172 = arith.addi %add3A_167, %select_n3A_171 : vector<16xi32>
    %ge3A_173 = arith.constant 64 : i32
    %ge3A_174 = vector.broadcast %ge3A_173 : i32 to vector<16xi32>
    %ge3A_175 = arith.cmpi sge, %abs3A_141, %ge3A_174 : vector<16xi32>
    %select_n3A_176 = arith.select %ge3A_175, %broadcast_in_dim3A_143, %broadcast_in_dim3A_145 : vector<16xi1>, vector<16xi32>
    %add3A_177 = arith.addi %add3A_172, %select_n3A_176 : vector<16xi32>
    %ge3A_178 = arith.constant 91 : i32
    %ge3A_179 = vector.broadcast %ge3A_178 : i32 to vector<16xi32>
    %ge3A_180 = arith.cmpi sge, %abs3A_141, %ge3A_179 : vector<16xi32>
    %select_n3A_181 = arith.select %ge3A_180, %broadcast_in_dim3A_143, %broadcast_in_dim3A_145 : vector<16xi1>, vector<16xi32>
    %add3A_182 = arith.addi %add3A_177, %select_n3A_181 : vector<16xi32>
    %lt3A_183 = arith.constant 8 : i32
    %lt3A_184 = vector.broadcast %lt3A_183 : i32 to vector<16xi32>
    %lt3A_185 = arith.cmpi slt, %abs3A_141, %lt3A_184 : vector<16xi32>
    %select_n3A_186 = arith.select %lt3A_185, %abs3A_141, %add3A_182 : vector<16xi1>, vector<16xi32>
    %lt3A_187 = arith.constant 0 : i32
    %lt3A_188 = vector.broadcast %lt3A_187 : i32 to vector<16xi32>
    %lt3A_189 = arith.cmpi slt, %neg3A_140, %lt3A_188 : vector<16xi32>
    %broadcast_in_dim3A_190 = arith.constant 16 : i32
    %broadcast_in_dim3A_191 = vector.broadcast %broadcast_in_dim3A_190 : i32 to vector<16xi32>
    %select_n3A_192 = arith.select %lt3A_189, %broadcast_in_dim3A_191, %broadcast_in_dim3A_145 : vector<16xi1>, vector<16xi32>
    %add3A_193 = arith.addi %select_n3A_186, %select_n3A_192 : vector<16xi32>
    %swap3A_194 = arith.constant 32 : index
    %swap3A_195 = tpu.vector_load %arg4[%swap3A_194] {strides = array<i32>} : memref<128xi32, #tpu.memory_space<vmem>>, vector<16xi32>,
    %swap3A_196 = vector.shape_cast %swap3A_195 : vector<16xi32> to vector<16xi32>
    %swap3A_197 = vector.shape_cast %add3A_193 : vector<16xi32> to vector<16xi32>
    tpu.vector_store %arg4[%swap3A_194], %swap3A_197 {strides = array<i32>} : memref<128xi32, #tpu.memory_space<vmem>>, vector<16xi32>,
    %add3A_198 = arith.constant 48 : i32
    %add3A_199 = arith.addi %mul3A_2, %add3A_198 : i32
    %iota3A_200 = tpu.iota {dimensions = array<i32: 0>} : vector<16xi32>
    %add3A_201 = vector.broadcast %add3A_199 : i32 to vector<16xi32>
    %add3A_202 = arith.addi %add3A_201, %iota3A_200 : vector<16xi32>
    %sub3A_203 = arith.constant 2047 : i32
    %sub3A_204 = vector.broadcast %sub3A_203 : i32 to vector<16xi32>
    %sub3A_205 = arith.subi %add3A_202, %sub3A_204 : vector<16xi32>
    %neg3A_206 = arith.constant 0 : i32
    %neg3A_207 = vector.broadcast %neg3A_206 : i32 to vector<16xi32>
    %neg3A_208 = arith.subi %neg3A_207, %sub3A_205 : vector<16xi32>
    %abs3A_209 = math.absi %neg3A_208 : vector<16xi32>
    %broadcast_in_dim3A_210 = arith.constant 1 : i32
    %broadcast_in_dim3A_211 = vector.broadcast %broadcast_in_dim3A_210 : i32 to vector<16xi32>
    %broadcast_in_dim3A_212 = arith.constant 0 : i32
    %broadcast_in_dim3A_213 = vector.broadcast %broadcast_in_dim3A_212 : i32 to vector<16xi32>
    %broadcast_in_dim3A_214 = arith.constant 8 : i32
    %broadcast_in_dim3A_215 = vector.broadcast %broadcast_in_dim3A_214 : i32 to vector<16xi32>
    %ge3A_216 = arith.constant 12 : i32
    %ge3A_217 = vector.broadcast %ge3A_216 : i32 to vector<16xi32>
    %ge3A_218 = arith.cmpi sge, %abs3A_209, %ge3A_217 : vector<16xi32>
    %select_n3A_219 = arith.select %ge3A_218, %broadcast_in_dim3A_211, %broadcast_in_dim3A_213 : vector<16xi1>, vector<16xi32>
    %add3A_220 = arith.addi %broadcast_in_dim3A_215, %select_n3A_219 : vector<16xi32>
    %ge3A_221 = arith.constant 16 : i32
    %ge3A_222 = vector.broadcast %ge3A_221 : i32 to vector<16xi32>
    %ge3A_223 = arith.cmpi sge, %abs3A_209, %ge3A_222 : vector<16xi32>
    %select_n3A_224 = arith.select %ge3A_223, %broadcast_in_dim3A_211, %broadcast_in_dim3A_213 : vector<16xi1>, vector<16xi32>
    %add3A_225 = arith.addi %add3A_220, %select_n3A_224 : vector<16xi32>
    %ge3A_226 = arith.constant 23 : i32
    %ge3A_227 = vector.broadcast %ge3A_226 : i32 to vector<16xi32>
    %ge3A_228 = arith.cmpi sge, %abs3A_209, %ge3A_227 : vector<16xi32>
    %select_n3A_229 = arith.select %ge3A_228, %broadcast_in_dim3A_211, %broadcast_in_dim3A_213 : vector<16xi1>, vector<16xi32>
    %add3A_230 = arith.addi %add3A_225, %select_n3A_229 : vector<16xi32>
    %ge3A_231 = arith.constant 32 : i32
    %ge3A_232 = vector.broadcast %ge3A_231 : i32 to vector<16xi32>
    %ge3A_233 = arith.cmpi sge, %abs3A_209, %ge3A_232 : vector<16xi32>
    %select_n3A_234 = arith.select %ge3A_233, %broadcast_in_dim3A_211, %broadcast_in_dim3A_213 : vector<16xi1>, vector<16xi32>
    %add3A_235 = arith.addi %add3A_230, %select_n3A_234 : vector<16xi32>
    %ge3A_236 = arith.constant 46 : i32
    %ge3A_237 = vector.broadcast %ge3A_236 : i32 to vector<16xi32>
    %ge3A_238 = arith.cmpi sge, %abs3A_209, %ge3A_237 : vector<16xi32>
    %select_n3A_239 = arith.select %ge3A_238, %broadcast_in_dim3A_211, %broadcast_in_dim3A_213 : vector<16xi1>, vector<16xi32>
    %add3A_240 = arith.addi %add3A_235, %select_n3A_239 : vector<16xi32>
    %ge3A_241 = arith.constant 64 : i32
    %ge3A_242 = vector.broadcast %ge3A_241 : i32 to vector<16xi32>
    %ge3A_243 = arith.cmpi sge, %abs3A_209, %ge3A_242 : vector<16xi32>
    %select_n3A_244 = arith.select %ge3A_243, %broadcast_in_dim3A_211, %broadcast_in_dim3A_213 : vector<16xi1>, vector<16xi32>
    %add3A_245 = arith.addi %add3A_240, %select_n3A_244 : vector<16xi32>
    %ge3A_246 = arith.constant 91 : i32
    %ge3A_247 = vector.broadcast %ge3A_246 : i32 to vector<16xi32>
    %ge3A_248 = arith.cmpi sge, %abs3A_209, %ge3A_247 : vector<16xi32>
    %select_n3A_249 = arith.select %ge3A_248, %broadcast_in_dim3A_211, %broadcast_in_dim3A_213 : vector<16xi1>, vector<16xi32>
    %add3A_250 = arith.addi %add3A_245, %select_n3A_249 : vector<16xi32>
    %lt3A_251 = arith.constant 8 : i32
    %lt3A_252 = vector.broadcast %lt3A_251 : i32 to vector<16xi32>
    %lt3A_253 = arith.cmpi slt, %abs3A_209, %lt3A_252 : vector<16xi32>
    %select_n3A_254 = arith.select %lt3A_253, %abs3A_209, %add3A_250 : vector<16xi1>, vector<16xi32>
    %lt3A_255 = arith.constant 0 : i32
    %lt3A_256 = vector.broadcast %lt3A_255 : i32 to vector<16xi32>
    %lt3A_257 = arith.cmpi slt, %neg3A_208, %lt3A_256 : vector<16xi32>
    %broadcast_in_dim3A_258 = arith.constant 16 : i32
    %broadcast_in_dim3A_259 = vector.broadcast %broadcast_in_dim3A_258 : i32 to vector<16xi32>
    %select_n3A_260 = arith.select %lt3A_257, %broadcast_in_dim3A_259, %broadcast_in_dim3A_213 : vector<16xi1>, vector<16xi32>
    %add3A_261 = arith.addi %select_n3A_254, %select_n3A_260 : vector<16xi32>
    %swap3A_262 = arith.constant 48 : index
    %swap3A_263 = tpu.vector_load %arg4[%swap3A_262] {strides = array<i32>} : memref<128xi32, #tpu.memory_space<vmem>>, vector<16xi32>,
    %swap3A_264 = vector.shape_cast %swap3A_263 : vector<16xi32> to vector<16xi32>
    %swap3A_265 = vector.shape_cast %add3A_261 : vector<16xi32> to vector<16xi32>
    tpu.vector_store %arg4[%swap3A_262], %swap3A_265 {strides = array<i32>} : memref<128xi32, #tpu.memory_space<vmem>>, vector<16xi32>,
    %add3A_266 = arith.constant 64 : i32
    %add3A_267 = arith.addi %mul3A_2, %add3A_266 : i32
    %iota3A_268 = tpu.iota {dimensions = array<i32: 0>} : vector<16xi32>
    %add3A_269 = vector.broadcast %add3A_267 : i32 to vector<16xi32>
    %add3A_270 = arith.addi %add3A_269, %iota3A_268 : vector<16xi32>
    %sub3A_271 = arith.constant 2047 : i32
    %sub3A_272 = vector.broadcast %sub3A_271 : i32 to vector<16xi32>
    %sub3A_273 = arith.subi %add3A_270, %sub3A_272 : vector<16xi32>
    %neg3A_274 = arith.constant 0 : i32
    %neg3A_275 = vector.broadcast %neg3A_274 : i32 to vector<16xi32>
    %neg3A_276 = arith.subi %neg3A_275, %sub3A_273 : vector<16xi32>
    %abs3A_277 = math.absi %neg3A_276 : vector<16xi32>
    %broadcast_in_dim3A_278 = arith.constant 1 : i32
    %broadcast_in_dim3A_279 = vector.broadcast %broadcast_in_dim3A_278 : i32 to vector<16xi32>
    %broadcast_in_dim3A_280 = arith.constant 0 : i32
    %broadcast_in_dim3A_281 = vector.broadcast %broadcast_in_dim3A_280 : i32 to vector<16xi32>
    %broadcast_in_dim3A_282 = arith.constant 8 : i32
    %broadcast_in_dim3A_283 = vector.broadcast %broadcast_in_dim3A_282 : i32 to vector<16xi32>
    %ge3A_284 = arith.constant 12 : i32
    %ge3A_285 = vector.broadcast %ge3A_284 : i32 to vector<16xi32>
    %ge3A_286 = arith.cmpi sge, %abs3A_277, %ge3A_285 : vector<16xi32>
    %select_n3A_287 = arith.select %ge3A_286, %broadcast_in_dim3A_279, %broadcast_in_dim3A_281 : vector<16xi1>, vector<16xi32>
    %add3A_288 = arith.addi %broadcast_in_dim3A_283, %select_n3A_287 : vector<16xi32>
    %ge3A_289 = arith.constant 16 : i32
    %ge3A_290 = vector.broadcast %ge3A_289 : i32 to vector<16xi32>
    %ge3A_291 = arith.cmpi sge, %abs3A_277, %ge3A_290 : vector<16xi32>
    %select_n3A_292 = arith.select %ge3A_291, %broadcast_in_dim3A_279, %broadcast_in_dim3A_281 : vector<16xi1>, vector<16xi32>
    %add3A_293 = arith.addi %add3A_288, %select_n3A_292 : vector<16xi32>
    %ge3A_294 = arith.constant 23 : i32
    %ge3A_295 = vector.broadcast %ge3A_294 : i32 to vector<16xi32>
    %ge3A_296 = arith.cmpi sge, %abs3A_277, %ge3A_295 : vector<16xi32>
    %select_n3A_297 = arith.select %ge3A_296, %broadcast_in_dim3A_279, %broadcast_in_dim3A_281 : vector<16xi1>, vector<16xi32>
    %add3A_298 = arith.addi %add3A_293, %select_n3A_297 : vector<16xi32>
    %ge3A_299 = arith.constant 32 : i32
    %ge3A_300 = vector.broadcast %ge3A_299 : i32 to vector<16xi32>
    %ge3A_301 = arith.cmpi sge, %abs3A_277, %ge3A_300 : vector<16xi32>
    %select_n3A_302 = arith.select %ge3A_301, %broadcast_in_dim3A_279, %broadcast_in_dim3A_281 : vector<16xi1>, vector<16xi32>
    %add3A_303 = arith.addi %add3A_298, %select_n3A_302 : vector<16xi32>
    %ge3A_304 = arith.constant 46 : i32
    %ge3A_305 = vector.broadcast %ge3A_304 : i32 to vector<16xi32>
    %ge3A_306 = arith.cmpi sge, %abs3A_277, %ge3A_305 : vector<16xi32>
    %select_n3A_307 = arith.select %ge3A_306, %broadcast_in_dim3A_279, %broadcast_in_dim3A_281 : vector<16xi1>, vector<16xi32>
    %add3A_308 = arith.addi %add3A_303, %select_n3A_307 : vector<16xi32>
    %ge3A_309 = arith.constant 64 : i32
    %ge3A_310 = vector.broadcast %ge3A_309 : i32 to vector<16xi32>
    %ge3A_311 = arith.cmpi sge, %abs3A_277, %ge3A_310 : vector<16xi32>
    %select_n3A_312 = arith.select %ge3A_311, %broadcast_in_dim3A_279, %broadcast_in_dim3A_281 : vector<16xi1>, vector<16xi32>
    %add3A_313 = arith.addi %add3A_308, %select_n3A_312 : vector<16xi32>
    %ge3A_314 = arith.constant 91 : i32
    %ge3A_315 = vector.broadcast %ge3A_314 : i32 to vector<16xi32>
    %ge3A_316 = arith.cmpi sge, %abs3A_277, %ge3A_315 : vector<16xi32>
    %select_n3A_317 = arith.select %ge3A_316, %broadcast_in_dim3A_279, %broadcast_in_dim3A_281 : vector<16xi1>, vector<16xi32>
    %add3A_318 = arith.addi %add3A_313, %select_n3A_317 : vector<16xi32>
    %lt3A_319 = arith.constant 8 : i32
    %lt3A_320 = vector.broadcast %lt3A_319 : i32 to vector<16xi32>
    %lt3A_321 = arith.cmpi slt, %abs3A_277, %lt3A_320 : vector<16xi32>
    %select_n3A_322 = arith.select %lt3A_321, %abs3A_277, %add3A_318 : vector<16xi1>, vector<16xi32>
    %lt3A_323 = arith.constant 0 : i32
    %lt3A_324 = vector.broadcast %lt3A_323 : i32 to vector<16xi32>
    %lt3A_325 = arith.cmpi slt, %neg3A_276, %lt3A_324 : vector<16xi32>
    %broadcast_in_dim3A_326 = arith.constant 16 : i32
    %broadcast_in_dim3A_327 = vector.broadcast %broadcast_in_dim3A_326 : i32 to vector<16xi32>
    %select_n3A_328 = arith.select %lt3A_325, %broadcast_in_dim3A_327, %broadcast_in_dim3A_281 : vector<16xi1>, vector<16xi32>
    %add3A_329 = arith.addi %select_n3A_322, %select_n3A_328 : vector<16xi32>
    %swap3A_330 = arith.constant 64 : index
    %swap3A_331 = tpu.vector_load %arg4[%swap3A_330] {strides = array<i32>} : memref<128xi32, #tpu.memory_space<vmem>>, vector<16xi32>,
    %swap3A_332 = vector.shape_cast %swap3A_331 : vector<16xi32> to vector<16xi32>
    %swap3A_333 = vector.shape_cast %add3A_329 : vector<16xi32> to vector<16xi32>
    tpu.vector_store %arg4[%swap3A_330], %swap3A_333 {strides = array<i32>} : memref<128xi32, #tpu.memory_space<vmem>>, vector<16xi32>,
    %add3A_334 = arith.constant 80 : i32
    %add3A_335 = arith.addi %mul3A_2, %add3A_334 : i32
    %iota3A_336 = tpu.iota {dimensions = array<i32: 0>} : vector<16xi32>
    %add3A_337 = vector.broadcast %add3A_335 : i32 to vector<16xi32>
    %add3A_338 = arith.addi %add3A_337, %iota3A_336 : vector<16xi32>
    %sub3A_339 = arith.constant 2047 : i32
    %sub3A_340 = vector.broadcast %sub3A_339 : i32 to vector<16xi32>
    %sub3A_341 = arith.subi %add3A_338, %sub3A_340 : vector<16xi32>
    %neg3A_342 = arith.constant 0 : i32
    %neg3A_343 = vector.broadcast %neg3A_342 : i32 to vector<16xi32>
    %neg3A_344 = arith.subi %neg3A_343, %sub3A_341 : vector<16xi32>
    %abs3A_345 = math.absi %neg3A_344 : vector<16xi32>
    %broadcast_in_dim3A_346 = arith.constant 1 : i32
    %broadcast_in_dim3A_347 = vector.broadcast %broadcast_in_dim3A_346 : i32 to vector<16xi32>
    %broadcast_in_dim3A_348 = arith.constant 0 : i32
    %broadcast_in_dim3A_349 = vector.broadcast %broadcast_in_dim3A_348 : i32 to vector<16xi32>
    %broadcast_in_dim3A_350 = arith.constant 8 : i32
    %broadcast_in_dim3A_351 = vector.broadcast %broadcast_in_dim3A_350 : i32 to vector<16xi32>
    %ge3A_352 = arith.constant 12 : i32
    %ge3A_353 = vector.broadcast %ge3A_352 : i32 to vector<16xi32>
    %ge3A_354 = arith.cmpi sge, %abs3A_345, %ge3A_353 : vector<16xi32>
    %select_n3A_355 = arith.select %ge3A_354, %broadcast_in_dim3A_347, %broadcast_in_dim3A_349 : vector<16xi1>, vector<16xi32>
    %add3A_356 = arith.addi %broadcast_in_dim3A_351, %select_n3A_355 : vector<16xi32>
    %ge3A_357 = arith.constant 16 : i32
    %ge3A_358 = vector.broadcast %ge3A_357 : i32 to vector<16xi32>
    %ge3A_359 = arith.cmpi sge, %abs3A_345, %ge3A_358 : vector<16xi32>
    %select_n3A_360 = arith.select %ge3A_359, %broadcast_in_dim3A_347, %broadcast_in_dim3A_349 : vector<16xi1>, vector<16xi32>
    %add3A_361 = arith.addi %add3A_356, %select_n3A_360 : vector<16xi32>
    %ge3A_362 = arith.constant 23 : i32
    %ge3A_363 = vector.broadcast %ge3A_362 : i32 to vector<16xi32>
    %ge3A_364 = arith.cmpi sge, %abs3A_345, %ge3A_363 : vector<16xi32>
    %select_n3A_365 = arith.select %ge3A_364, %broadcast_in_dim3A_347, %broadcast_in_dim3A_349 : vector<16xi1>, vector<16xi32>
    %add3A_366 = arith.addi %add3A_361, %select_n3A_365 : vector<16xi32>
    %ge3A_367 = arith.constant 32 : i32
    %ge3A_368 = vector.broadcast %ge3A_367 : i32 to vector<16xi32>
    %ge3A_369 = arith.cmpi sge, %abs3A_345, %ge3A_368 : vector<16xi32>
    %select_n3A_370 = arith.select %ge3A_369, %broadcast_in_dim3A_347, %broadcast_in_dim3A_349 : vector<16xi1>, vector<16xi32>
    %add3A_371 = arith.addi %add3A_366, %select_n3A_370 : vector<16xi32>
    %ge3A_372 = arith.constant 46 : i32
    %ge3A_373 = vector.broadcast %ge3A_372 : i32 to vector<16xi32>
    %ge3A_374 = arith.cmpi sge, %abs3A_345, %ge3A_373 : vector<16xi32>
    %select_n3A_375 = arith.select %ge3A_374, %broadcast_in_dim3A_347, %broadcast_in_dim3A_349 : vector<16xi1>, vector<16xi32>
    %add3A_376 = arith.addi %add3A_371, %select_n3A_375 : vector<16xi32>
    %ge3A_377 = arith.constant 64 : i32
    %ge3A_378 = vector.broadcast %ge3A_377 : i32 to vector<16xi32>
    %ge3A_379 = arith.cmpi sge, %abs3A_345, %ge3A_378 : vector<16xi32>
    %select_n3A_380 = arith.select %ge3A_379, %broadcast_in_dim3A_347, %broadcast_in_dim3A_349 : vector<16xi1>, vector<16xi32>
    %add3A_381 = arith.addi %add3A_376, %select_n3A_380 : vector<16xi32>
    %ge3A_382 = arith.constant 91 : i32
    %ge3A_383 = vector.broadcast %ge3A_382 : i32 to vector<16xi32>
    %ge3A_384 = arith.cmpi sge, %abs3A_345, %ge3A_383 : vector<16xi32>
    %select_n3A_385 = arith.select %ge3A_384, %broadcast_in_dim3A_347, %broadcast_in_dim3A_349 : vector<16xi1>, vector<16xi32>
    %add3A_386 = arith.addi %add3A_381, %select_n3A_385 : vector<16xi32>
    %lt3A_387 = arith.constant 8 : i32
    %lt3A_388 = vector.broadcast %lt3A_387 : i32 to vector<16xi32>
    %lt3A_389 = arith.cmpi slt, %abs3A_345, %lt3A_388 : vector<16xi32>
    %select_n3A_390 = arith.select %lt3A_389, %abs3A_345, %add3A_386 : vector<16xi1>, vector<16xi32>
    %lt3A_391 = arith.constant 0 : i32
    %lt3A_392 = vector.broadcast %lt3A_391 : i32 to vector<16xi32>
    %lt3A_393 = arith.cmpi slt, %neg3A_344, %lt3A_392 : vector<16xi32>
    %broadcast_in_dim3A_394 = arith.constant 16 : i32
    %broadcast_in_dim3A_395 = vector.broadcast %broadcast_in_dim3A_394 : i32 to vector<16xi32>
    %select_n3A_396 = arith.select %lt3A_393, %broadcast_in_dim3A_395, %broadcast_in_dim3A_349 : vector<16xi1>, vector<16xi32>
    %add3A_397 = arith.addi %select_n3A_390, %select_n3A_396 : vector<16xi32>
    %swap3A_398 = arith.constant 80 : index
    %swap3A_399 = tpu.vector_load %arg4[%swap3A_398] {strides = array<i32>} : memref<128xi32, #tpu.memory_space<vmem>>, vector<16xi32>,
    %swap3A_400 = vector.shape_cast %swap3A_399 : vector<16xi32> to vector<16xi32>
    %swap3A_401 = vector.shape_cast %add3A_397 : vector<16xi32> to vector<16xi32>
    tpu.vector_store %arg4[%swap3A_398], %swap3A_401 {strides = array<i32>} : memref<128xi32, #tpu.memory_space<vmem>>, vector<16xi32>,
    %add3A_402 = arith.constant 96 : i32
    %add3A_403 = arith.addi %mul3A_2, %add3A_402 : i32
    %iota3A_404 = tpu.iota {dimensions = array<i32: 0>} : vector<16xi32>
    %add3A_405 = vector.broadcast %add3A_403 : i32 to vector<16xi32>
    %add3A_406 = arith.addi %add3A_405, %iota3A_404 : vector<16xi32>
    %sub3A_407 = arith.constant 2047 : i32
    %sub3A_408 = vector.broadcast %sub3A_407 : i32 to vector<16xi32>
    %sub3A_409 = arith.subi %add3A_406, %sub3A_408 : vector<16xi32>
    %neg3A_410 = arith.constant 0 : i32
    %neg3A_411 = vector.broadcast %neg3A_410 : i32 to vector<16xi32>
    %neg3A_412 = arith.subi %neg3A_411, %sub3A_409 : vector<16xi32>
    %abs3A_413 = math.absi %neg3A_412 : vector<16xi32>
    %broadcast_in_dim3A_414 = arith.constant 1 : i32
    %broadcast_in_dim3A_415 = vector.broadcast %broadcast_in_dim3A_414 : i32 to vector<16xi32>
    %broadcast_in_dim3A_416 = arith.constant 0 : i32
    %broadcast_in_dim3A_417 = vector.broadcast %broadcast_in_dim3A_416 : i32 to vector<16xi32>
    %broadcast_in_dim3A_418 = arith.constant 8 : i32
    %broadcast_in_dim3A_419 = vector.broadcast %broadcast_in_dim3A_418 : i32 to vector<16xi32>
    %ge3A_420 = arith.constant 12 : i32
    %ge3A_421 = vector.broadcast %ge3A_420 : i32 to vector<16xi32>
    %ge3A_422 = arith.cmpi sge, %abs3A_413, %ge3A_421 : vector<16xi32>
    %select_n3A_423 = arith.select %ge3A_422, %broadcast_in_dim3A_415, %broadcast_in_dim3A_417 : vector<16xi1>, vector<16xi32>
    %add3A_424 = arith.addi %broadcast_in_dim3A_419, %select_n3A_423 : vector<16xi32>
    %ge3A_425 = arith.constant 16 : i32
    %ge3A_426 = vector.broadcast %ge3A_425 : i32 to vector<16xi32>
    %ge3A_427 = arith.cmpi sge, %abs3A_413, %ge3A_426 : vector<16xi32>
    %select_n3A_428 = arith.select %ge3A_427, %broadcast_in_dim3A_415, %broadcast_in_dim3A_417 : vector<16xi1>, vector<16xi32>
    %add3A_429 = arith.addi %add3A_424, %select_n3A_428 : vector<16xi32>
    %ge3A_430 = arith.constant 23 : i32
    %ge3A_431 = vector.broadcast %ge3A_430 : i32 to vector<16xi32>
    %ge3A_432 = arith.cmpi sge, %abs3A_413, %ge3A_431 : vector<16xi32>
    %select_n3A_433 = arith.select %ge3A_432, %broadcast_in_dim3A_415, %broadcast_in_dim3A_417 : vector<16xi1>, vector<16xi32>
    %add3A_434 = arith.addi %add3A_429, %select_n3A_433 : vector<16xi32>
    %ge3A_435 = arith.constant 32 : i32
    %ge3A_436 = vector.broadcast %ge3A_435 : i32 to vector<16xi32>
    %ge3A_437 = arith.cmpi sge, %abs3A_413, %ge3A_436 : vector<16xi32>
    %select_n3A_438 = arith.select %ge3A_437, %broadcast_in_dim3A_415, %broadcast_in_dim3A_417 : vector<16xi1>, vector<16xi32>
    %add3A_439 = arith.addi %add3A_434, %select_n3A_438 : vector<16xi32>
    %ge3A_440 = arith.constant 46 : i32
    %ge3A_441 = vector.broadcast %ge3A_440 : i32 to vector<16xi32>
    %ge3A_442 = arith.cmpi sge, %abs3A_413, %ge3A_441 : vector<16xi32>
    %select_n3A_443 = arith.select %ge3A_442, %broadcast_in_dim3A_415, %broadcast_in_dim3A_417 : vector<16xi1>, vector<16xi32>
    %add3A_444 = arith.addi %add3A_439, %select_n3A_443 : vector<16xi32>
    %ge3A_445 = arith.constant 64 : i32
    %ge3A_446 = vector.broadcast %ge3A_445 : i32 to vector<16xi32>
    %ge3A_447 = arith.cmpi sge, %abs3A_413, %ge3A_446 : vector<16xi32>
    %select_n3A_448 = arith.select %ge3A_447, %broadcast_in_dim3A_415, %broadcast_in_dim3A_417 : vector<16xi1>, vector<16xi32>
    %add3A_449 = arith.addi %add3A_444, %select_n3A_448 : vector<16xi32>
    %ge3A_450 = arith.constant 91 : i32
    %ge3A_451 = vector.broadcast %ge3A_450 : i32 to vector<16xi32>
    %ge3A_452 = arith.cmpi sge, %abs3A_413, %ge3A_451 : vector<16xi32>
    %select_n3A_453 = arith.select %ge3A_452, %broadcast_in_dim3A_415, %broadcast_in_dim3A_417 : vector<16xi1>, vector<16xi32>
    %add3A_454 = arith.addi %add3A_449, %select_n3A_453 : vector<16xi32>
    %lt3A_455 = arith.constant 8 : i32
    %lt3A_456 = vector.broadcast %lt3A_455 : i32 to vector<16xi32>
    %lt3A_457 = arith.cmpi slt, %abs3A_413, %lt3A_456 : vector<16xi32>
    %select_n3A_458 = arith.select %lt3A_457, %abs3A_413, %add3A_454 : vector<16xi1>, vector<16xi32>
    %lt3A_459 = arith.constant 0 : i32
    %lt3A_460 = vector.broadcast %lt3A_459 : i32 to vector<16xi32>
    %lt3A_461 = arith.cmpi slt, %neg3A_412, %lt3A_460 : vector<16xi32>
    %broadcast_in_dim3A_462 = arith.constant 16 : i32
    %broadcast_in_dim3A_463 = vector.broadcast %broadcast_in_dim3A_462 : i32 to vector<16xi32>
    %select_n3A_464 = arith.select %lt3A_461, %broadcast_in_dim3A_463, %broadcast_in_dim3A_417 : vector<16xi1>, vector<16xi32>
    %add3A_465 = arith.addi %select_n3A_458, %select_n3A_464 : vector<16xi32>
    %swap3A_466 = arith.constant 96 : index
    %swap3A_467 = tpu.vector_load %arg4[%swap3A_466] {strides = array<i32>} : memref<128xi32, #tpu.memory_space<vmem>>, vector<16xi32>,
    %swap3A_468 = vector.shape_cast %swap3A_467 : vector<16xi32> to vector<16xi32>
    %swap3A_469 = vector.shape_cast %add3A_465 : vector<16xi32> to vector<16xi32>
    tpu.vector_store %arg4[%swap3A_466], %swap3A_469 {strides = array<i32>} : memref<128xi32, #tpu.memory_space<vmem>>, vector<16xi32>,
    %add3A_470 = arith.constant 112 : i32
    %add3A_471 = arith.addi %mul3A_2, %add3A_470 : i32
    %iota3A_472 = tpu.iota {dimensions = array<i32: 0>} : vector<16xi32>
    %add3A_473 = vector.broadcast %add3A_471 : i32 to vector<16xi32>
    %add3A_474 = arith.addi %add3A_473, %iota3A_472 : vector<16xi32>
    %sub3A_475 = arith.constant 2047 : i32
    %sub3A_476 = vector.broadcast %sub3A_475 : i32 to vector<16xi32>
    %sub3A_477 = arith.subi %add3A_474, %sub3A_476 : vector<16xi32>
    %neg3A_478 = arith.constant 0 : i32
    %neg3A_479 = vector.broadcast %neg3A_478 : i32 to vector<16xi32>
    %neg3A_480 = arith.subi %neg3A_479, %sub3A_477 : vector<16xi32>
    %abs3A_481 = math.absi %neg3A_480 : vector<16xi32>
    %broadcast_in_dim3A_482 = arith.constant 1 : i32
    %broadcast_in_dim3A_483 = vector.broadcast %broadcast_in_dim3A_482 : i32 to vector<16xi32>
    %broadcast_in_dim3A_484 = arith.constant 0 : i32
    %broadcast_in_dim3A_485 = vector.broadcast %broadcast_in_dim3A_484 : i32 to vector<16xi32>
    %broadcast_in_dim3A_486 = arith.constant 8 : i32
    %broadcast_in_dim3A_487 = vector.broadcast %broadcast_in_dim3A_486 : i32 to vector<16xi32>
    %ge3A_488 = arith.constant 12 : i32
    %ge3A_489 = vector.broadcast %ge3A_488 : i32 to vector<16xi32>
    %ge3A_490 = arith.cmpi sge, %abs3A_481, %ge3A_489 : vector<16xi32>
    %select_n3A_491 = arith.select %ge3A_490, %broadcast_in_dim3A_483, %broadcast_in_dim3A_485 : vector<16xi1>, vector<16xi32>
    %add3A_492 = arith.addi %broadcast_in_dim3A_487, %select_n3A_491 : vector<16xi32>
    %ge3A_493 = arith.constant 16 : i32
    %ge3A_494 = vector.broadcast %ge3A_493 : i32 to vector<16xi32>
    %ge3A_495 = arith.cmpi sge, %abs3A_481, %ge3A_494 : vector<16xi32>
    %select_n3A_496 = arith.select %ge3A_495, %broadcast_in_dim3A_483, %broadcast_in_dim3A_485 : vector<16xi1>, vector<16xi32>
    %add3A_497 = arith.addi %add3A_492, %select_n3A_496 : vector<16xi32>
    %ge3A_498 = arith.constant 23 : i32
    %ge3A_499 = vector.broadcast %ge3A_498 : i32 to vector<16xi32>
    %ge3A_500 = arith.cmpi sge, %abs3A_481, %ge3A_499 : vector<16xi32>
    %select_n3A_501 = arith.select %ge3A_500, %broadcast_in_dim3A_483, %broadcast_in_dim3A_485 : vector<16xi1>, vector<16xi32>
    %add3A_502 = arith.addi %add3A_497, %select_n3A_501 : vector<16xi32>
    %ge3A_503 = arith.constant 32 : i32
    %ge3A_504 = vector.broadcast %ge3A_503 : i32 to vector<16xi32>
    %ge3A_505 = arith.cmpi sge, %abs3A_481, %ge3A_504 : vector<16xi32>
    %select_n3A_506 = arith.select %ge3A_505, %broadcast_in_dim3A_483, %broadcast_in_dim3A_485 : vector<16xi1>, vector<16xi32>
    %add3A_507 = arith.addi %add3A_502, %select_n3A_506 : vector<16xi32>
    %ge3A_508 = arith.constant 46 : i32
    %ge3A_509 = vector.broadcast %ge3A_508 : i32 to vector<16xi32>
    %ge3A_510 = arith.cmpi sge, %abs3A_481, %ge3A_509 : vector<16xi32>
    %select_n3A_511 = arith.select %ge3A_510, %broadcast_in_dim3A_483, %broadcast_in_dim3A_485 : vector<16xi1>, vector<16xi32>
    %add3A_512 = arith.addi %add3A_507, %select_n3A_511 : vector<16xi32>
    %ge3A_513 = arith.constant 64 : i32
    %ge3A_514 = vector.broadcast %ge3A_513 : i32 to vector<16xi32>
    %ge3A_515 = arith.cmpi sge, %abs3A_481, %ge3A_514 : vector<16xi32>
    %select_n3A_516 = arith.select %ge3A_515, %broadcast_in_dim3A_483, %broadcast_in_dim3A_485 : vector<16xi1>, vector<16xi32>
    %add3A_517 = arith.addi %add3A_512, %select_n3A_516 : vector<16xi32>
    %ge3A_518 = arith.constant 91 : i32
    %ge3A_519 = vector.broadcast %ge3A_518 : i32 to vector<16xi32>
    %ge3A_520 = arith.cmpi sge, %abs3A_481, %ge3A_519 : vector<16xi32>
    %select_n3A_521 = arith.select %ge3A_520, %broadcast_in_dim3A_483, %broadcast_in_dim3A_485 : vector<16xi1>, vector<16xi32>
    %add3A_522 = arith.addi %add3A_517, %select_n3A_521 : vector<16xi32>
    %lt3A_523 = arith.constant 8 : i32
    %lt3A_524 = vector.broadcast %lt3A_523 : i32 to vector<16xi32>
    %lt3A_525 = arith.cmpi slt, %abs3A_481, %lt3A_524 : vector<16xi32>
    %select_n3A_526 = arith.select %lt3A_525, %abs3A_481, %add3A_522 : vector<16xi1>, vector<16xi32>
    %lt3A_527 = arith.constant 0 : i32
    %lt3A_528 = vector.broadcast %lt3A_527 : i32 to vector<16xi32>
    %lt3A_529 = arith.cmpi slt, %neg3A_480, %lt3A_528 : vector<16xi32>
    %broadcast_in_dim3A_530 = arith.constant 16 : i32
    %broadcast_in_dim3A_531 = vector.broadcast %broadcast_in_dim3A_530 : i32 to vector<16xi32>
    %select_n3A_532 = arith.select %lt3A_529, %broadcast_in_dim3A_531, %broadcast_in_dim3A_485 : vector<16xi1>, vector<16xi32>
    %add3A_533 = arith.addi %select_n3A_526, %select_n3A_532 : vector<16xi32>
    %swap3A_534 = arith.constant 112 : index
    %swap3A_535 = tpu.vector_load %arg4[%swap3A_534] {strides = array<i32>} : memref<128xi32, #tpu.memory_space<vmem>>, vector<16xi32>,
    %swap3A_536 = vector.shape_cast %swap3A_535 : vector<16xi32> to vector<16xi32>
    %swap3A_537 = vector.shape_cast %add3A_533 : vector<16xi32> to vector<16xi32>
    tpu.vector_store %arg4[%swap3A_534], %swap3A_537 {strides = array<i32>} : memref<128xi32, #tpu.memory_space<vmem>>, vector<16xi32>,
    %dma_start3A = arith.constant 0 : i32
    %dma_start3A_538 = arith.constant 0 : i32
    %dma_start3A_539 = tpu.memref_slice %arg2[%dma_start3A, %dma_start3A_538] : memref<32x16xf32, #tpu.memory_space<hbm>> -> memref<32x16xf32, #tpu.memory_space<hbm>>
    tpu.enqueue_indirect_dma source(%dma_start3A_539 : memref<32x16xf32, #tpu.memory_space<hbm>>) target(%arg5 : memref<128x16xf32, #tpu.memory_space<vmem>>) offsets(%arg4 : memref<128xi32, #tpu.memory_space<vmem>>) semaphore(%arg6 : memref<!tpu.dma_semaphore, #tpu.memory_space<semaphore_mem>>)
    %dma_wait3A = arith.constant 0 : i32
    %dma_wait3A_540 = arith.constant 0 : i32
    %dma_wait3A_541 = tpu.memref_slice %arg2[%dma_wait3A, %dma_wait3A_540] : memref<32x16xf32, #tpu.memory_space<hbm>> -> memref<32x16xf32, #tpu.memory_space<hbm>>
    tpu.wait_indirect_dma semaphore(%arg6 : memref<!tpu.dma_semaphore, #tpu.memory_space<semaphore_mem>>) src(%dma_wait3A_541 : memref<32x16xf32, #tpu.memory_space<hbm>>) dst(%arg5 : memref<128x16xf32, #tpu.memory_space<vmem>>)
    "tpu.region"() ({
      %run_scoped3A = tpu.sem_alloc : memref<!tpu.dma_semaphore, #tpu.memory_space<semaphore_mem>>
      %dma_start3A_542 = arith.constant 0 : i32
      %dma_start3A_543 = tpu.memref_slice %arg3[%mul3A_2, %dma_start3A_542] : memref<4096x16xf32, #tpu.memory_space<hbm>> -> memref<128x16xf32, #tpu.memory_space<hbm>>
      %dma_start3A_544 = arith.constant 0 : i32
      %dma_start3A_545 = tpu.memref_slice %arg3[%mul3A_2, %dma_start3A_544] : memref<4096x16xf32, #tpu.memory_space<hbm>> -> memref<128x16xf32, #tpu.memory_space<hbm>>
      tpu.enqueue_dma source(%arg5 : memref<128x16xf32, #tpu.memory_space<vmem>>) target(%dma_start3A_545 : memref<128x16xf32, #tpu.memory_space<hbm>>) target_semaphore(%run_scoped3A : memref<!tpu.dma_semaphore, #tpu.memory_space<semaphore_mem>>)
      %dma_wait3A_546 = arith.constant 0 : i32
      %dma_wait3A_547 = tpu.memref_slice %arg3[%mul3A_2, %dma_wait3A_546] : memref<4096x16xf32, #tpu.memory_space<hbm>> -> memref<128x16xf32, #tpu.memory_space<hbm>>
      %dma_wait3A_548 = arith.constant 0 : i32
      %dma_wait3A_549 = tpu.memref_slice %arg3[%mul3A_2, %dma_wait3A_548] : memref<4096x16xf32, #tpu.memory_space<hbm>> -> memref<128x16xf32, #tpu.memory_space<hbm>>
      tpu.wait_dma2 semaphore(%run_scoped3A : memref<!tpu.dma_semaphore, #tpu.memory_space<semaphore_mem>>) src(%arg5 : memref<128x16xf32, #tpu.memory_space<vmem>>) dst(%dma_wait3A_549 : memref<128x16xf32, #tpu.memory_space<hbm>>)
      tpu.yield
    }) : () -> ()
    return
  }
}

module attributes {stable_mosaic.version = 14 : i64} {
  func.func @_expand_tc_body(%arg0: i32, %arg1: i32, %arg2: memref<4096x16xf32, #tpu.memory_space<vmem>>, %arg3: memref<1x1024x2048xf32, #tpu.memory_space<vmem>>, %arg4: memref<128x4096xf32, #tpu.memory_space<vmem>>, %arg5: memref<16x4096xf32, #tpu.memory_space<vmem>>) attributes {dimension_semantics = [#tpu.dimension_semantics<arbitrary>, #tpu.dimension_semantics<arbitrary>], iteration_bounds = array<i64: 12, 2>, scalar_prefetch = 0 : i64, scratch_operands = 2 : i64, tpu.core_type = #tpu.core_type<tc>, window_params = [{pipeline_mode = #tpu.pipeline_mode<synchronous>, transform_indices = @transform_0, window_bounds = array<i64: 4096, 16>}, {transform_indices = @transform_1, window_bounds = array<i64: 1, 1024, 2048>}]} {
    %eq3A = arith.constant 0 : i32
    %eq3A_0 = arith.cmpi eq, %arg0, %eq3A : i32
    %eq3A_1 = arith.constant 0 : i32
    %eq3A_2 = arith.cmpi eq, %arg1, %eq3A_1 : i32
    %and3A = arith.andi %eq3A_0, %eq3A_2 : i1
    %convert_element_type3A = arith.extui %and3A : i1 to i32
    %cond3A = arith.constant 0 : i32
    %cond3A_3 = arith.cmpi ne, %convert_element_type3A, %cond3A : i32
    scf.if %cond3A_3 {
      %get3A_131 = arith.constant 0 : index
      %get3A_132 = arith.constant 0 : index
      %get3A_133 = vector.load %arg2[%get3A_131, %get3A_132] : memref<4096x16xf32, #tpu.memory_space<vmem>>, vector<4096x16xf32>
      %transpose3A = tpu.transpose %get3A_133, [1, 0] : vector<4096x16xf32> -> vector<16x4096xf32>
      %iota3A = tpu.iota {dimensions = array<i32: 1>} : vector<1x4096xi32>
      %sub3A_134 = arith.constant 2047 : i32
      %sub3A_135 = vector.broadcast %sub3A_134 : i32 to vector<1x4096xi32>
      %sub3A_136 = arith.subi %iota3A, %sub3A_135 : vector<1x4096xi32>
      %gt3A = arith.constant 32 : i32
      %gt3A_137 = vector.broadcast %gt3A : i32 to vector<1x4096xi32>
      %gt3A_138 = arith.cmpi sgt, %sub3A_136, %gt3A_137 : vector<1x4096xi32>
      %lt3A = arith.constant -32 : i32
      %lt3A_139 = vector.broadcast %lt3A : i32 to vector<1x4096xi32>
      %lt3A_140 = arith.cmpi slt, %sub3A_136, %lt3A_139 : vector<1x4096xi32>
      %or3A = arith.ori %gt3A_138, %lt3A_140 : vector<1x4096xi1>
      %convert_element_type3A_141 = arith.extui %or3A : vector<1x4096xi1> to vector<1x4096xi32>
      %convert_element_type3A_142 = arith.sitofp %convert_element_type3A_141 : vector<1x4096xi32> to vector<1x4096xf32>
      %mul3A_143 = arith.constant 1.000000e+08 : f32
      %mul3A_144 = vector.broadcast %mul3A_143 : f32 to vector<1x4096xf32>
      %mul3A_145 = arith.mulf %convert_element_type3A_142, %mul3A_144 : vector<1x4096xf32>
      %neg3A = arith.constant 0.000000e+00 : f32
      %neg3A_146 = vector.broadcast %neg3A : f32 to vector<1x4096xf32>
      %neg3A_147 = arith.subf %neg3A_146, %mul3A_145 : vector<1x4096xf32>
      %broadcast_in_dim3A = vector.shape_cast %neg3A_147 : vector<1x4096xf32> to vector<1x4096xf32>
      %broadcast_in_dim3A_148 = vector.broadcast %broadcast_in_dim3A : vector<1x4096xf32> to vector<16x4096xf32>
      %add3A_149 = arith.addf %transpose3A, %broadcast_in_dim3A_148 : vector<16x4096xf32>
      %swap3A_150 = arith.constant 0 : index
      %swap3A_151 = arith.constant 0 : index
      %swap3A_152 = vector.load %arg5[%swap3A_150, %swap3A_151] : memref<16x4096xf32, #tpu.memory_space<vmem>>, vector<16x4096xf32>
      tpu.vector_store %arg5[%swap3A_150, %swap3A_151], %add3A_149 {strides = array<i32>} : memref<16x4096xf32, #tpu.memory_space<vmem>>, vector<16x4096xf32>,
    } else {
    }
    %eq3A_4 = arith.constant 0 : i32
    %eq3A_5 = arith.cmpi eq, %arg1, %eq3A_4 : i32
    %convert_element_type3A_6 = arith.extui %eq3A_5 : i1 to i32
    %cond3A_7 = arith.constant 0 : i32
    %cond3A_8 = arith.cmpi ne, %convert_element_type3A_6, %cond3A_7 : i32
    scf.if %cond3A_8 {
      %get3A_131 = arith.index_cast %arg0 : i32 to index
      %get3A_132 = arith.constant 0 : index
      %get3A_133 = vector.load %arg5[%get3A_131, %get3A_132] : memref<16x4096xf32, #tpu.memory_space<vmem>>, vector<1x4096xf32>
      %broadcast_in_dim3A = vector.shape_cast %get3A_133 : vector<1x4096xf32> to vector<1x4096xf32>
      %broadcast_in_dim3A_134 = vector.broadcast %broadcast_in_dim3A : vector<1x4096xf32> to vector<128x4096xf32>
      %roll3A = arith.constant 3969 : i32
      %roll3A_135 = tpu.dynamic_rotate %broadcast_in_dim3A_134 by %roll3A dim 1 {stride = 1 : si32, stride_dimension = 0 : si32} : vector<128x4096xf32>, i32 -> vector<128x4096xf32>
      %swap3A_136 = arith.constant 0 : index
      %swap3A_137 = arith.constant 0 : index
      %swap3A_138 = vector.load %arg4[%swap3A_136, %swap3A_137] : memref<128x4096xf32, #tpu.memory_space<vmem>>, vector<128x4096xf32>
      tpu.vector_store %arg4[%swap3A_136, %swap3A_137], %roll3A_135 {strides = array<i32>} : memref<128x4096xf32, #tpu.memory_space<vmem>>, vector<128x4096xf32>,
    } else {
    }
    %mul3A = arith.constant 1024 : i32
    %mul3A_9 = arith.muli %arg1, %mul3A : i32
    %add3A = arith.constant 0 : i32
    %add3A_10 = arith.addi %mul3A_9, %add3A : i32
    %sub3A = arith.constant 1920 : i32
    %sub3A_11 = arith.subi %sub3A, %add3A_10 : i32
    %multiple_of3A = tpu.assume_multiple %sub3A_11, 128 : i32
    %get3A = arith.constant 0 : index
    %get3A_12 = arith.index_cast %multiple_of3A : i32 to index
    %get3A_13 = vector.load %arg4[%get3A, %get3A_12] : memref<128x4096xf32, #tpu.memory_space<vmem>>, vector<128x2048xf32>
    %swap3A = arith.constant 0 : index
    %swap3A_14 = arith.constant 0 : index
    %swap3A_15 = arith.constant 0 : index
    %swap3A_16 = vector.load %arg3[%swap3A, %swap3A_14, %swap3A_15] : memref<1x1024x2048xf32, #tpu.memory_space<vmem>>, vector<1x128x2048xf32>
    %swap3A_17 = vector.shape_cast %swap3A_16 : vector<1x128x2048xf32> to vector<128x2048xf32>
    %swap3A_18 = vector.shape_cast %get3A_13 : vector<128x2048xf32> to vector<1x128x2048xf32>
    tpu.vector_store %arg3[%swap3A, %swap3A_14, %swap3A_15], %swap3A_18 {strides = array<i32>} : memref<1x1024x2048xf32, #tpu.memory_space<vmem>>, vector<1x128x2048xf32>,
    %mul3A_19 = arith.constant 1024 : i32
    %mul3A_20 = arith.muli %arg1, %mul3A_19 : i32
    %add3A_21 = arith.constant 128 : i32
    %add3A_22 = arith.addi %mul3A_20, %add3A_21 : i32
    %sub3A_23 = arith.constant 1920 : i32
    %sub3A_24 = arith.subi %sub3A_23, %add3A_22 : i32
    %multiple_of3A_25 = tpu.assume_multiple %sub3A_24, 128 : i32
    %get3A_26 = arith.constant 0 : index
    %get3A_27 = arith.index_cast %multiple_of3A_25 : i32 to index
    %get3A_28 = vector.load %arg4[%get3A_26, %get3A_27] : memref<128x4096xf32, #tpu.memory_space<vmem>>, vector<128x2048xf32>
    %swap3A_29 = arith.constant 0 : index
    %swap3A_30 = arith.constant 128 : index
    %swap3A_31 = arith.constant 0 : index
    %swap3A_32 = vector.load %arg3[%swap3A_29, %swap3A_30, %swap3A_31] : memref<1x1024x2048xf32, #tpu.memory_space<vmem>>, vector<1x128x2048xf32>
    %swap3A_33 = vector.shape_cast %swap3A_32 : vector<1x128x2048xf32> to vector<128x2048xf32>
    %swap3A_34 = vector.shape_cast %get3A_28 : vector<128x2048xf32> to vector<1x128x2048xf32>
    tpu.vector_store %arg3[%swap3A_29, %swap3A_30, %swap3A_31], %swap3A_34 {strides = array<i32>} : memref<1x1024x2048xf32, #tpu.memory_space<vmem>>, vector<1x128x2048xf32>,
    %mul3A_35 = arith.constant 1024 : i32
    %mul3A_36 = arith.muli %arg1, %mul3A_35 : i32
    %add3A_37 = arith.constant 256 : i32
    %add3A_38 = arith.addi %mul3A_36, %add3A_37 : i32
    %sub3A_39 = arith.constant 1920 : i32
    %sub3A_40 = arith.subi %sub3A_39, %add3A_38 : i32
    %multiple_of3A_41 = tpu.assume_multiple %sub3A_40, 128 : i32
    %get3A_42 = arith.constant 0 : index
    %get3A_43 = arith.index_cast %multiple_of3A_41 : i32 to index
    %get3A_44 = vector.load %arg4[%get3A_42, %get3A_43] : memref<128x4096xf32, #tpu.memory_space<vmem>>, vector<128x2048xf32>
    %swap3A_45 = arith.constant 0 : index
    %swap3A_46 = arith.constant 256 : index
    %swap3A_47 = arith.constant 0 : index
    %swap3A_48 = vector.load %arg3[%swap3A_45, %swap3A_46, %swap3A_47] : memref<1x1024x2048xf32, #tpu.memory_space<vmem>>, vector<1x128x2048xf32>
    %swap3A_49 = vector.shape_cast %swap3A_48 : vector<1x128x2048xf32> to vector<128x2048xf32>
    %swap3A_50 = vector.shape_cast %get3A_44 : vector<128x2048xf32> to vector<1x128x2048xf32>
    tpu.vector_store %arg3[%swap3A_45, %swap3A_46, %swap3A_47], %swap3A_50 {strides = array<i32>} : memref<1x1024x2048xf32, #tpu.memory_space<vmem>>, vector<1x128x2048xf32>,
    %mul3A_51 = arith.constant 1024 : i32
    %mul3A_52 = arith.muli %arg1, %mul3A_51 : i32
    %add3A_53 = arith.constant 384 : i32
    %add3A_54 = arith.addi %mul3A_52, %add3A_53 : i32
    %sub3A_55 = arith.constant 1920 : i32
    %sub3A_56 = arith.subi %sub3A_55, %add3A_54 : i32
    %multiple_of3A_57 = tpu.assume_multiple %sub3A_56, 128 : i32
    %get3A_58 = arith.constant 0 : index
    %get3A_59 = arith.index_cast %multiple_of3A_57 : i32 to index
    %get3A_60 = vector.load %arg4[%get3A_58, %get3A_59] : memref<128x4096xf32, #tpu.memory_space<vmem>>, vector<128x2048xf32>
    %swap3A_61 = arith.constant 0 : index
    %swap3A_62 = arith.constant 384 : index
    %swap3A_63 = arith.constant 0 : index
    %swap3A_64 = vector.load %arg3[%swap3A_61, %swap3A_62, %swap3A_63] : memref<1x1024x2048xf32, #tpu.memory_space<vmem>>, vector<1x128x2048xf32>
    %swap3A_65 = vector.shape_cast %swap3A_64 : vector<1x128x2048xf32> to vector<128x2048xf32>
    %swap3A_66 = vector.shape_cast %get3A_60 : vector<128x2048xf32> to vector<1x128x2048xf32>
    tpu.vector_store %arg3[%swap3A_61, %swap3A_62, %swap3A_63], %swap3A_66 {strides = array<i32>} : memref<1x1024x2048xf32, #tpu.memory_space<vmem>>, vector<1x128x2048xf32>,
    %mul3A_67 = arith.constant 1024 : i32
    %mul3A_68 = arith.muli %arg1, %mul3A_67 : i32
    %add3A_69 = arith.constant 512 : i32
    %add3A_70 = arith.addi %mul3A_68, %add3A_69 : i32
    %sub3A_71 = arith.constant 1920 : i32
    %sub3A_72 = arith.subi %sub3A_71, %add3A_70 : i32
    %multiple_of3A_73 = tpu.assume_multiple %sub3A_72, 128 : i32
    %get3A_74 = arith.constant 0 : index
    %get3A_75 = arith.index_cast %multiple_of3A_73 : i32 to index
    %get3A_76 = vector.load %arg4[%get3A_74, %get3A_75] : memref<128x4096xf32, #tpu.memory_space<vmem>>, vector<128x2048xf32>
    %swap3A_77 = arith.constant 0 : index
    %swap3A_78 = arith.constant 512 : index
    %swap3A_79 = arith.constant 0 : index
    %swap3A_80 = vector.load %arg3[%swap3A_77, %swap3A_78, %swap3A_79] : memref<1x1024x2048xf32, #tpu.memory_space<vmem>>, vector<1x128x2048xf32>
    %swap3A_81 = vector.shape_cast %swap3A_80 : vector<1x128x2048xf32> to vector<128x2048xf32>
    %swap3A_82 = vector.shape_cast %get3A_76 : vector<128x2048xf32> to vector<1x128x2048xf32>
    tpu.vector_store %arg3[%swap3A_77, %swap3A_78, %swap3A_79], %swap3A_82 {strides = array<i32>} : memref<1x1024x2048xf32, #tpu.memory_space<vmem>>, vector<1x128x2048xf32>,
    %mul3A_83 = arith.constant 1024 : i32
    %mul3A_84 = arith.muli %arg1, %mul3A_83 : i32
    %add3A_85 = arith.constant 640 : i32
    %add3A_86 = arith.addi %mul3A_84, %add3A_85 : i32
    %sub3A_87 = arith.constant 1920 : i32
    %sub3A_88 = arith.subi %sub3A_87, %add3A_86 : i32
    %multiple_of3A_89 = tpu.assume_multiple %sub3A_88, 128 : i32
    %get3A_90 = arith.constant 0 : index
    %get3A_91 = arith.index_cast %multiple_of3A_89 : i32 to index
    %get3A_92 = vector.load %arg4[%get3A_90, %get3A_91] : memref<128x4096xf32, #tpu.memory_space<vmem>>, vector<128x2048xf32>
    %swap3A_93 = arith.constant 0 : index
    %swap3A_94 = arith.constant 640 : index
    %swap3A_95 = arith.constant 0 : index
    %swap3A_96 = vector.load %arg3[%swap3A_93, %swap3A_94, %swap3A_95] : memref<1x1024x2048xf32, #tpu.memory_space<vmem>>, vector<1x128x2048xf32>
    %swap3A_97 = vector.shape_cast %swap3A_96 : vector<1x128x2048xf32> to vector<128x2048xf32>
    %swap3A_98 = vector.shape_cast %get3A_92 : vector<128x2048xf32> to vector<1x128x2048xf32>
    tpu.vector_store %arg3[%swap3A_93, %swap3A_94, %swap3A_95], %swap3A_98 {strides = array<i32>} : memref<1x1024x2048xf32, #tpu.memory_space<vmem>>, vector<1x128x2048xf32>,
    %mul3A_99 = arith.constant 1024 : i32
    %mul3A_100 = arith.muli %arg1, %mul3A_99 : i32
    %add3A_101 = arith.constant 768 : i32
    %add3A_102 = arith.addi %mul3A_100, %add3A_101 : i32
    %sub3A_103 = arith.constant 1920 : i32
    %sub3A_104 = arith.subi %sub3A_103, %add3A_102 : i32
    %multiple_of3A_105 = tpu.assume_multiple %sub3A_104, 128 : i32
    %get3A_106 = arith.constant 0 : index
    %get3A_107 = arith.index_cast %multiple_of3A_105 : i32 to index
    %get3A_108 = vector.load %arg4[%get3A_106, %get3A_107] : memref<128x4096xf32, #tpu.memory_space<vmem>>, vector<128x2048xf32>
    %swap3A_109 = arith.constant 0 : index
    %swap3A_110 = arith.constant 768 : index
    %swap3A_111 = arith.constant 0 : index
    %swap3A_112 = vector.load %arg3[%swap3A_109, %swap3A_110, %swap3A_111] : memref<1x1024x2048xf32, #tpu.memory_space<vmem>>, vector<1x128x2048xf32>
    %swap3A_113 = vector.shape_cast %swap3A_112 : vector<1x128x2048xf32> to vector<128x2048xf32>
    %swap3A_114 = vector.shape_cast %get3A_108 : vector<128x2048xf32> to vector<1x128x2048xf32>
    tpu.vector_store %arg3[%swap3A_109, %swap3A_110, %swap3A_111], %swap3A_114 {strides = array<i32>} : memref<1x1024x2048xf32, #tpu.memory_space<vmem>>, vector<1x128x2048xf32>,
    %mul3A_115 = arith.constant 1024 : i32
    %mul3A_116 = arith.muli %arg1, %mul3A_115 : i32
    %add3A_117 = arith.constant 896 : i32
    %add3A_118 = arith.addi %mul3A_116, %add3A_117 : i32
    %sub3A_119 = arith.constant 1920 : i32
    %sub3A_120 = arith.subi %sub3A_119, %add3A_118 : i32
    %multiple_of3A_121 = tpu.assume_multiple %sub3A_120, 128 : i32
    %get3A_122 = arith.constant 0 : index
    %get3A_123 = arith.index_cast %multiple_of3A_121 : i32 to index
    %get3A_124 = vector.load %arg4[%get3A_122, %get3A_123] : memref<128x4096xf32, #tpu.memory_space<vmem>>, vector<128x2048xf32>
    %swap3A_125 = arith.constant 0 : index
    %swap3A_126 = arith.constant 896 : index
    %swap3A_127 = arith.constant 0 : index
    %swap3A_128 = vector.load %arg3[%swap3A_125, %swap3A_126, %swap3A_127] : memref<1x1024x2048xf32, #tpu.memory_space<vmem>>, vector<1x128x2048xf32>
    %swap3A_129 = vector.shape_cast %swap3A_128 : vector<1x128x2048xf32> to vector<128x2048xf32>
    %swap3A_130 = vector.shape_cast %get3A_124 : vector<128x2048xf32> to vector<1x128x2048xf32>
    tpu.vector_store %arg3[%swap3A_125, %swap3A_126, %swap3A_127], %swap3A_130 {strides = array<i32>} : memref<1x1024x2048xf32, #tpu.memory_space<vmem>>, vector<1x128x2048xf32>,
    return
  }
  func.func @transform_0(%arg0: i32, %arg1: i32) -> (i32, i32) {
    %c0_i32 = arith.constant 0 : i32
    %c0_i32_0 = arith.constant 0 : i32
    %c0_i32_1 = arith.constant 0 : i32
    return %c0_i32, %c0_i32_0 : i32, i32
  }
  func.func @transform_1(%arg0: i32, %arg1: i32) -> (i32, i32, i32) {
    %c0_i32 = arith.constant 0 : i32
    %c0_i32_0 = arith.constant 0 : i32
    return %arg0, %arg1, %c0_i32 : i32, i32, i32
  }
}

</mosaic_0001>

<sc_bundles>
// kernel: _bias_impl.4.cloned.1.call-start
scs
__scs_entry_jumppad:
0x0: {  	(pc) =	sbr.rel $0x88, $3  }
0x1: {  	(tag) =	ssettag $0x0;
	lr =	simm.s32 $0x1  }
0x2: {  	[smem:$0x3FA0] =	sst lr;
	_ =	strace $0xD0000000  }
0x3: {  	_ = 	snop  }
0x4: {  	_ = 	snop  }
0x5: {  	_ = 	snop  }
0x6: {  	_ = 	snop  }
0x7: {  	_ = 	snop  }
__scs_overlays_trampoline_lowered:
0x8: {  	[smem:$0x3FAF] =	sst s0  }
0x9: {  	[smem:$0x3FB0] =	sst s1  }
0xa: {  	[smem:$0x3FB1] =	sst s2  }
0xb: {  	[smem:$0x3FB2] =	sst s3  }
0xc: {  	[smem:$0x3FB3] =	sst s4  }
0xd: {  	[smem:$0x3FB4] =	sst s5  }
0xe: {  	[smem:$0x3FB5] =	sst s6  }
0xf: {  	[smem:$0x3FB6] =	sst s7  }
0x10: {  	[smem:$0x3FB7] =	sst s8  }
0x11: {  	[smem:$0x3FB8] =	sst s9;
	s0 =	simm.s32 @!p0 $0x0  }
0x12: {  	s1 =	sld [smem:$0x3F9E];
	s0 =	simm.s32 @p0 $0x1  }
0x13: {  	[smem:$0x3FB9] =	sst s0;
	s0 =	simm.s32 @!p1 $0x0  }
0x14: {  	s2 =	sld [smem:$0x3F9D];
	s0 =	simm.s32 @p1 $0x1  }
0x15: {  	[smem:$0x3FBA] =	sst s0;
	s0 =	simm.s32 @!p2 $0x0  }
0x16: {  	s3 =	sld [smem:$0x3FDB];
	s0 =	simm.s32 @p2 $0x1  }
0x17: {  	s4 =	simm.s32 $0x1BF5;
	[smem:$0x3FBC] =	sst s0  }
0x18: {  	s0 =	sld [smem:$0x3F9F];
	_ =	swait.ge [sflag:s4], $0x0  }
0x19: {  	s7 =	sld [smem:$0x3FA0]  }
0x1a: {  	s8 =	sadd.s32 $0xFFFFE003, lr  }
0x1b: {  	s9 =	sadd.s32 $0xFFFFFEF7, lr;
	s5 =	simm.s32 $0xFFFFFFFF;
	p2 =	slt.u32 s8, $0xFFFFF086  }
0x1c: {  	p1 =	slt.u32 s9, $0xF7A;
	s5 =	simm.s32 @!p2 $0x0  }
0x1d: {  	s5 =	simm.s32 @p1 $0x1;
	p0 =	seq.s32 s7, s2  }
0x1e: {  	s7 =	smul.u32 @!p0 $0xF7A, s2;
	p2 =	seq.s32 @!p0 s5, $0x0  }
0x1f: {  	s9 =	smul.u32 $0xF7A, s1;
	s8 =	simm.s32 @!p0 $0x1BF5;
	p2 =	por !p2, p0  }
0x20: {  	[sflag:s8] =	ssyncset.s32 @!p0 $0xFFFFF086;
	s6 =	sadd.s32 @!p0 s3, s7;
	s7 =	simm.s32 @!p0 $0x108  }
0x21: {  	s3 =	sadd.s32 s3, s9;
	s6 =	sadd.s32 @!p0 $0x88, s6;
	s7 =	simm.s32 @p2 $0x1082  }
0x22: {  	[simem:s7], [sflag:s8] =	dma.local @!p0 [hbm:s6], $0xF7A  }
0x23: {  	s9 =	sor.u32 $0xD0000000, s2;
	s6 =	simm.s32 $0x108;
	_ =	swait.ge @!p0 [sflag:s8], $0x0  }
0x24: {  	s3 =	sadd.s32 $0x88, s3;
	s6 =	simm.s32 @!p1 $0x1082;
	[sflag:s4] =	ssyncset.s32 $0xFFFFF086  }
0x25: {  	[simem:s6], [sflag:s4] =	dma.local [hbm:s3], $0xF7A  }
0x26: {  	[smem:$0x3FA0] =	sst s1;
	(tag) =	ssettag s2;
	_ =	strace s9  }
0x27: {  	s1 =	sld [smem:$0x3FB0]  }
0x28: {  	s2 =	sld [smem:$0x3FB1]  }
0x29: {  	s4 =	sld [smem:$0x3FB3]  }
0x2a: {  	p0 =	seq.s32 s5, $0x0;
	s5 =	sld [smem:$0x3FB4]  }
0x2b: {  	s6 =	sld [smem:$0x3FB5]  }
0x2c: {  	s7 =	sld [smem:$0x3FB6]  }
0x2d: {  	s3 =	simm.s32 $0x108;
	s8 =	sld [smem:$0x3FB7]  }
0x2e: {  	s3 =	simm.s32 @!p0 $0x1082;
	s9 =	sld [smem:$0x3FB8]  }
0x2f: {  	lr =	sadd.s32 s0, s3;
	s0 =	sld [smem:$0x3FAF]  }
0x30: {  	s3 =	sld [smem:$0x3FB2]  }
0x31: {  	[smem:$0x3FBB] =	sst s10  }
0x32: {  	s10 =	sld [smem:$0x3FB9];
	_ =	sdelay $0x3  }
0x33: {  	p0 =	seq.s32 s10, $0x1;
	s10 =	sld [smem:$0x3FBB];
	_ =	sdelay $0x3  }
0x34: {  	[smem:$0x3FBB] =	sst s10  }
0x35: {  	s10 =	sld [smem:$0x3FBA];
	_ =	sdelay $0x3  }
0x36: {  	p1 =	seq.s32 s10, $0x1;
	s10 =	sld [smem:$0x3FBB];
	_ =	sdelay $0x3  }
0x37: {  	[smem:$0x3FBB] =	sst s10  }
0x38: {  	s10 =	sld [smem:$0x3FBC]  }
0x39: {  	_ = 	snop;
	(pc) =	sbr.ind lr, $3  }
0x3a: {  	_ = 	snop  }
0x3b: {  	_ = 	snop  }
0x3c: {  	p2 =	seq.s32 s10, $0x1;
	s10 =	sld [smem:$0x3FBB]  }
0x3d: {  	_ =	shalt  }
0x3e: {  	_ =	shalt  }
0x3f: {  	_ =	shalt  }
0x40: {  	_ =	shalt  }
0x41: {  	_ =	shalt  }
0x42: {  	_ =	shalt  }
0x43: {  	_ =	shalt  }
0x44: {  	_ =	shalt  }
0x45: {  	_ =	shalt  }
0x46: {  	_ =	shalt  }
0x47: {  	_ =	shalt  }
0x48: {  	_ =	shalt  }
0x49: {  	_ =	shalt  }
0x4a: {  	_ =	shalt  }
0x4b: {  	_ =	shalt  }
0x4c: {  	_ =	shalt  }
0x4d: {  	_ =	shalt  }
0x4e: {  	_ =	shalt  }
0x4f: {  	_ =	shalt  }
0x50: {  	_ =	shalt  }
0x51: {  	_ =	shalt  }
0x52: {  	_ =	shalt  }
0x53: {  	_ =	shalt  }
0x54: {  	_ =	shalt  }
0x55: {  	_ =	shalt  }
0x56: {  	_ =	shalt  }
0x57: {  	_ =	shalt  }
0x58: {  	_ =	shalt  }
0x59: {  	_ =	shalt  }
0x5a: {  	_ =	shalt  }
0x5b: {  	_ =	shalt  }
0x5c: {  	_ =	shalt  }
0x5d: {  	_ =	shalt  }
0x5e: {  	_ =	shalt  }
0x5f: {  	_ =	shalt  }
0x60: {  	_ =	shalt  }
0x61: {  	_ =	shalt  }
0x62: {  	_ =	shalt  }
0x63: {  	_ =	shalt  }
0x64: {  	_ =	shalt  }
0x65: {  	_ =	shalt  }
0x66: {  	_ =	shalt  }
0x67: {  	_ =	shalt  }
0x68: {  	_ =	shalt  }
0x69: {  	_ =	shalt  }
0x6a: {  	_ =	shalt  }
0x6b: {  	_ =	shalt  }
0x6c: {  	_ =	shalt  }
0x6d: {  	_ =	shalt  }
0x6e: {  	_ =	shalt  }
0x6f: {  	_ =	shalt  }
0x70: {  	_ =	shalt  }
0x71: {  	_ =	shalt  }
0x72: {  	_ =	shalt  }
0x73: {  	_ =	shalt  }
0x74: {  	_ =	shalt  }
0x75: {  	_ =	shalt  }
0x76: {  	_ =	shalt  }
0x77: {  	_ =	shalt  }
0x78: {  	_ =	shalt  }
0x79: {  	_ =	shalt  }
0x7a: {  	_ =	shalt  }
0x7b: {  	_ =	shalt  }
0x7c: {  	_ =	shalt  }
0x7d: {  	_ =	shalt  }
0x7e: {  	_ =	shalt  }
0x7f: {  	_ =	shalt  }
0x80: {  	_ =	shalt  }
0x81: {  	_ =	shalt  }
0x82: {  	_ =	shalt  }
0x83: {  	_ =	shalt  }
0x84: {  	_ =	shalt  }
0x85: {  	_ =	shalt  }
0x86: {  	_ =	shalt  }
0x87: {  	_ =	shalt  }
.Lfunc_end0:
.L_simem_size_0:
called_computation_lowered:
.L_overlay_start_0:
0x88: {  	s2 =	sld [smem:$0x3FD9]  }
0x89: {  	s3 =	sld [smem:$0x3FFE];
	_ =	sdelay $0x1  }
0x8a: {  	s1 =	srdreg.scid  }
0x8b: {  	s0 =	sand.u32 $0x1, s1  }
0x8c: {  	s17 =	sshll.u32 s0, $0xA;
	s2 =	sadd.s32 s3, s2  }
0x8d: {  	s2 =	sadd.s32 s2, s17  }
0x8e: {  	[smem:$0x3FC7] =	sst s2  }
0x8f: {  	_ = 	snop  }
0x90: {  	s2 =	sld [smem:$0x3FD0];
	(tm) =	ssettm $0x1  }
0x91: {  	s18 =	sld [smem:$0x3FFB];
	_ =	sdelay $0x3  }
0x92: {  	_ =	strace s18  }
0x93: {  	s3 =	sld [smem:$0x3FFC];
	_ =	sdelay $0x3  }
0x94: {  	_ =	strace s3  }
0x95: {  	s3 =	sld [smem:$0x3FFD];
	_ =	sdelay $0x3  }
0x96: {  	_ =	strace s3  }
0x97: {  	_ =	strace $0x8FFFFFFF  }
0x98: {  	s19 =	sld [smem:$0x3FDB];
	_ =	sdelay $0x1  }
0x99: {  	s4 =	simm.s32 $_scs_section_size  }
0x9a: {  	s5 =	simm.s32 $_size__tile_overlayer_lowered;
	s6 =	simm.s32 $_tile_overlayer_lowered  }
0x9b: {  	s22 =	simm.s32 $0x1BFF;
	s21 =	sshll.u32 s6, $0x1;
	s3 =	sadd.s32 s4, s19  }
0x9c: {  	s7 =	simm.s32 $0x0;
	s20 =	sshll.u32 s5, $0x1;
	s5 =	sadd.s32 s21, s3  }
0x9d: {  	[timem:s7], [sflag:s22] =	dma.local [hbm:s5], s20  }
0x9e: {  	_ =	swait.ge [sflag:s22], s20  }
0x9f: {  	s4 =	ssub.s32 $0x0, s20;
	[sflag:s22] =	ssyncset.done $0x0  }
0xa0: {  	[sflag:s22] =	ssyncadd.s32 s4;
	_ =	sdelay $0x1  }
0xa1: {  	s23 =	simm.s32 $0x1B8B  }
0xa2: {  	_ =	swait.ge [sflag:s23], $0x1  }
0xa3: {  	[sflag:s23] =	ssyncset.done $0x0  }
0xa4: {  	s25 =	simm.s32 $0x1B8E;
	s24 =	sld [smem:$0x3FFE];
	[sflag:s23] =	ssyncadd.s32 $0xFFFFFFFF  }
0xa5: {  	s26 =	simm.s32 $execute0_lowered;
	[smem:$0x3FD2] =	sst s25  }
0xa6: {  	s5 =	sshll.u32 s26, $0x1;
	_ =	strace $0x80000046;
	[dreg:$0x1] =	wrdreg $0xFFFFFFFF  }
0xa7: {  	s28 =	simm.s32 $_size_execute0_lowered;
	s3 =	sadd.s32 s3, s5;
	[dreg:$0x0] =	wrdreg $0x0  }
0xa8: {  	s5 =	sshll.u32 s28, $0x1;
	[dreg:$0x2] =	wrdreg s3  }
0xa9: {  	[dreg:$0x3] =	wrdreg s5  }
0xaa: {  	[dreg:$0x4] =	wrdreg $0xC0  }
0xab: {  	_ =	task [dreg:s7], $0x5FFFF  }
0xac: {  	[dreg:$0x1] =	wrdreg $0xFFFFFFFF  }
0xad: {  	[dreg:$0x0] =	wrdreg $0x60  }
0xae: {  	[dreg:$0x2] =	wrdreg s24  }
0xaf: {  	[dreg:$0x3] =	wrdreg s2  }
0xb0: {  	[dreg:$0x4] =	wrdreg $0x9  }
0xb1: {  	_ =	task.clear_ibuf [dreg:s7], $0x5FFFF;
	_ =	strace $0x90000046  }
0xb2: {  	s29 =	simm.s32 $0x9;
	_ =	strace $0x80000048  }
0xb3: {  	_ =	swait.ge [sflag:s29], $0x1  }
0xb4: {  	[sflag:s29] =	ssyncadd.s32 $0xFFFFFFFF  }
0xb5: {  	_ =	strace $0x90000048  }
0xb6: {  	_ =	sfence  }
0xb7: {  	s30 =	sld [smem:$0x0];
	_ =	sdelay $0x2  }
0xb8: {  	s31 =	sshll.u32 s1, $0xD;
	s1 =	sshrl.u32 s1, $0x2  }
0xb9: {  	s3 =	sand.u32 $0x4000, s31;
	s1 =	sadd.s32 s1, s30  }
0xba: {  	s0 =	sor.u32 s3, s0;
	s1 =	sshll.u32 s1, $0x11  }
0xbb: {  	s0 =	sor.u32 s1, s0  }
0xbc: {  	s0 =	sadd.s32 $0x8F2B, s0  }
0xbd: {  	[sflag:s0] =	ssyncadd.remote.s32 $0x1  }
0xbe: {  	_ =	sfence.sel $0xFFFF  }
0xbf: {  	[dreg:$0x0] =	wrdreg $0xFFFFFFFF;
	(pc) =	sbr.abs _section_cstart, $3  }
0xc0: {  	[dreg:$0x1] =	wrdreg $0xFFFFFFFF  }
0xc1: {  	_ =	task.clear_ibuf [dreg:s7], $0x2FFFF;
	_ =	strace $0x9FFFFFFF  }
0xc2: {  	(tm) =	ssettm $0x7FFFFFFF  }
0xc3: {  	_ =	shalt  }
tec
execute0_lowered:
.L_overlay_start_1:
0x0: {  	(tag) =	ssettag $0x1  }
0x1: {  	s1 =	srdreg.scid  }
0x2: {  	s0 =	stileid.u32;
	v0 =	vlaneseq.u32;
	s2 =	sand.u32 $0x1, s1  }
0x3: {  	s24 =	sshll.u32 s0, $0x8;
	v0 =	vmul.u32 $0xFFFFFFFF, v0;
	s3 =	sshll.u32 s2, $0x7  }
0x4: {  	s1 =	sor.u32 s3, s24  }
0x5: {  	v4 =	vimm.s32 $0x8;
	v5 =	vadd.s32 $0x7FF, v0;
	v1 =	vmov s1;
	s3 =	sor.u32 $0x10, s1  }
0x6: {  	v2 =	vimm.s32 $0x0;
	s26 =	sor.u32 $0x30, s1;
	s29 =	sor.u32 $0x50, s1;
	v0 =	vsub.s32 v5, v1;
	v7 =	vmov s3  }
0x7: {  	s30 =	sor.u32 $0x60, s1;
	v17 =	vmov s26;
	v45 =	vmov s29;
	v1 =	vsub.s32 $0x0, v0  }
0x8: {  	v54 =	vmov s30;
	v17 =	vsub.s32 v5, v17;
	v6 =	vmin.u32 v0, v1  }
0x9: {  	v0 =	vshrl.u32 v0, $0x1B;
	v38 =	vsub.s32 $0x0, v17;
	vm0 =	vgt.u32 v6, $0xB  }
0xa: {  	vm1 =	vgt.u32 v6, $0xF;
	vm14 =	vgt.u32 v6, $0x16;
	vm15 =	vgt.u32 v6, $0x1F  }
0xb: {  	vm4 =	vgt.u32 v6, $0x2D;
	v1 =	vsel vm0, $0x9, v4;
	v3 =	vsel vm1, $0x1, v2  }
0xc: {  	vm5 =	vgt.u32 v6, $0x3F;
	v1 =	vadd.s32 v3, v1;
	v3 =	vsel vm14, $0x1, v2  }
0xd: {  	vm6 =	vgt.u32 v6, $0x5A;
	v1 =	vadd.s32 v3, v1;
	v3 =	vsel vm15, $0x1, v2  }
0xe: {  	vm7 =	vlt.u32 v6, $0x8;
	v1 =	vadd.s32 v3, v1;
	v3 =	vsel vm4, $0x1, v2  }
0xf: {  	v3 =	vadd.s32 v3, v1;
	v1 =	vsub.s32 v5, v7;
	v7 =	vsel vm5, $0x1, v2  }
0x10: {  	v9 =	vsel vm6, $0x1, v2;
	v8 =	vsub.s32 $0x0, v1;
	v7 =	vadd.s32 v7, v3  }
0x11: {  	s25 =	sor.u32 $0x20, s1;
	v0 =	vand.u32 $0x10, v0;
	v3 =	vmin.u32 v1, v8;
	v7 =	vadd.s32 v9, v7  }
0x12: {  	v8 =	vmov s25;
	vm8 =	vgt.u32 v3, $0xB;
	v6 =	vsel vm7, v6, v7  }
0x13: {  	vm9 =	vgt.u32 v3, $0xF;
	vm10 =	vgt.u32 v3, $0x16;
	v9 =	vsub.s32 v5, v8  }
0x14: {  	vm11 =	vgt.u32 v3, $0x1F;
	vm12 =	vgt.u32 v3, $0x2D;
	vm6 =	vgt.u32 v3, $0x3F  }
0x15: {  	v7 =	vsel vm8, $0x9, v4;
	v8 =	vsel vm9, $0x1, v2;
	v10 =	vsel vm10, $0x1, v2  }
0x16: {  	v11 =	vsub.s32 $0x0, v9;
	v12 =	vsel vm11, $0x1, v2;
	v13 =	vsel vm12, $0x1, v2  }
0x17: {  	v35 =	vsel vm6, $0x1, v2;
	vm9 =	vgt.u32 v3, $0x5A;
	v0 =	vadd.s32 v0, v6  }
0x18: {  	v11 =	vmin.u32 v9, v11;
	v18 =	vsel vm9, $0x1, v2;
	v7 =	vadd.s32 v8, v7  }
0x19: {  	v9 =	vshrl.u32 v9, $0x1B;
	vm13 =	vgt.u32 v11, $0xB;
	vm14 =	vgt.u32 v11, $0xF  }
0x1a: {  	vm15 =	vgt.u32 v11, $0x16;
	vm4 =	vgt.u32 v11, $0x1F;
	vm5 =	vgt.u32 v11, $0x2D  }
0x1b: {  	vm7 =	vgt.u32 v11, $0x3F;
	vm8 =	vgt.u32 v11, $0x5A;
	vm10 =	vlt.u32 v11, $0x8  }
0x1c: {  	v7 =	vadd.s32 v10, v7;
	v9 =	vand.u32 $0x10, v9;
	v14 =	vsel vm13, $0x9, v4  }
0x1d: {  	v15 =	vsel vm14, $0x1, v2;
	v33 =	vsel vm15, $0x1, v2;
	v34 =	vsel vm4, $0x1, v2  }
0x1e: {  	v16 =	vsel vm5, $0x1, v2;
	v36 =	vsel vm7, $0x1, v2;
	v7 =	vadd.s32 v12, v7  }
0x1f: {  	v37 =	vsel vm8, $0x1, v2;
	v14 =	vadd.s32 v15, v14;
	v7 =	vadd.s32 v13, v7  }
0x20: {  	v13 =	vsub.s32 v5, v45;
	v15 =	vsub.s32 v5, v54;
	v14 =	vadd.s32 v33, v14  }
0x21: {  	v7 =	vadd.s32 v35, v7;
	v48 =	vsub.s32 $0x0, v13;
	v14 =	vadd.s32 v34, v14  }
0x22: {  	v57 =	vsub.s32 $0x0, v15;
	v14 =	vadd.s32 v16, v14;
	v16 =	vmin.u32 v17, v38  }
0x23: {  	v49 =	vmin.u32 v13, v48;
	v14 =	vadd.s32 v36, v14;
	vm11 =	vgt.u32 v16, $0xB  }
0x24: {  	vm12 =	vgt.u32 v16, $0xF;
	vm13 =	vgt.u32 v16, $0x16;
	vm14 =	vgt.u32 v16, $0x1F  }
0x25: {  	vm15 =	vgt.u32 v16, $0x2D;
	vm4 =	vgt.u32 v16, $0x3F;
	vm5 =	vgt.u32 v16, $0x5A  }
0x26: {  	v14 =	vadd.s32 v37, v14;
	v8 =	vsel vm11, $0x9, v4;
	v10 =	vsel vm12, $0x1, v2  }
0x27: {  	vm6 =	vlt.u32 v16, $0x8;
	v6 =	vsel vm10, v11, v14;
	v8 =	vadd.s32 v10, v8  }
0x28: {  	v10 =	vsel vm13, $0x1, v2;
	v11 =	vsel vm4, $0x1, v2;
	vm4 =	vgt.u32 v49, $0xF  }
0x29: {  	v8 =	vadd.s32 v10, v8;
	v10 =	vsel vm14, $0x1, v2;
	v6 =	vadd.s32 v9, v6  }
0x2a: {  	v9 =	vshrl.u32 v17, $0x1B;
	v50 =	vsel vm4, $0x1, v2;
	v17 =	vmin.u32 v15, v57  }
0x2b: {  	s28 =	sor.u32 $0x40, s1;
	v8 =	vadd.s32 v10, v8;
	v10 =	vsel vm15, $0x1, v2;
	vm15 =	vgt.u32 v49, $0xB  }
0x2c: {  	vm4 =	vgt.u32 v17, $0x3F;
	v8 =	vadd.s32 v10, v8;
	v10 =	vmov s28  }
0x2d: {  	v9 =	vand.u32 $0x10, v9;
	v62 =	vsel vm4, $0x1, v2;
	v10 =	vsub.s32 v5, v10  }
0x2e: {  	v8 =	vadd.s32 v11, v8;
	v11 =	vsel vm5, $0x1, v2;
	vm5 =	vgt.u32 v49, $0x16  }
0x2f: {  	v39 =	vsub.s32 $0x0, v10;
	v8 =	vadd.s32 v11, v8;
	v51 =	vsel vm5, $0x1, v2  }
0x30: {  	vm5 =	vgt.u32 v17, $0x5A;
	v11 =	vmin.u32 v10, v39;
	v40 =	vsel vm6, v16, v8  }
0x31: {  	v8 =	vadd.s32 v18, v7;
	vm6 =	vgt.u32 v49, $0x1F;
	v63 =	vsel vm5, $0x1, v2  }
0x32: {  	vm7 =	vgt.u32 v11, $0xB;
	vm8 =	vgt.u32 v11, $0xF;
	vm9 =	vgt.u32 v11, $0x16  }
0x33: {  	vm10 =	vgt.u32 v11, $0x1F;
	v41 =	vsel vm7, $0x9, v4;
	v7 =	vsel vm8, $0x1, v2  }
0x34: {  	vm11 =	vgt.u32 v11, $0x2D;
	v42 =	vsel vm9, $0x1, v2;
	v7 =	vadd.s32 v7, v41  }
0x35: {  	vm12 =	vgt.u32 v11, $0x3F;
	v43 =	vsel vm10, $0x1, v2;
	v7 =	vadd.s32 v42, v7  }
0x36: {  	vm13 =	vgt.u32 v11, $0x5A;
	v44 =	vsel vm11, $0x1, v2;
	v7 =	vadd.s32 v43, v7  }
0x37: {  	vm14 =	vlt.u32 v11, $0x8;
	v46 =	vsel vm12, $0x1, v2;
	v7 =	vadd.s32 v44, v7  }
0x38: {  	v52 =	vsel vm6, $0x1, v2;
	v47 =	vsel vm13, $0x1, v2;
	v7 =	vadd.s32 v46, v7  }
0x39: {  	vm7 =	vgt.u32 v49, $0x2D;
	vm8 =	vgt.u32 v49, $0x3F;
	v7 =	vadd.s32 v47, v7  }
0x3a: {  	vm9 =	vgt.u32 v49, $0x5A;
	v11 =	vsel vm14, v11, v7;
	v7 =	vsel vm15, $0x9, v4  }
0x3b: {  	vm10 =	vlt.u32 v49, $0x8;
	vm11 =	vgt.u32 v17, $0xB;
	v7 =	vadd.s32 v50, v7  }
0x3c: {  	vm12 =	vgt.u32 v17, $0xF;
	vm13 =	vgt.u32 v17, $0x16;
	v7 =	vadd.s32 v51, v7  }
0x3d: {  	v53 =	vsel vm7, $0x1, v2;
	v55 =	vsel vm8, $0x1, v2;
	v7 =	vadd.s32 v52, v7  }
0x3e: {  	v56 =	vsel vm9, $0x1, v2;
	v59 =	vsel vm12, $0x1, v2;
	v7 =	vadd.s32 v53, v7  }
0x3f: {  	vm14 =	vgt.u32 v17, $0x1F;
	vm15 =	vgt.u32 v17, $0x2D;
	v7 =	vadd.s32 v55, v7  }
0x40: {  	v16 =	vadd.s32 v56, v7;
	v7 =	vadd.s32 v9, v40;
	v9 =	vshrl.u32 v10, $0x1B  }
0x41: {  	v60 =	vsel vm14, $0x1, v2;
	v10 =	vsel vm11, $0x9, v4;
	v9 =	vand.u32 $0x10, v9  }
0x42: {  	s31 =	sor.u32 $0x70, s1;
	v10 =	vadd.s32 v59, v10;
	v9 =	vadd.s32 v9, v11;
	v11 =	vsel vm13, $0x1, v2  }
0x43: {  	vm14 =	vlt.u32 v17, $0x8;
	v10 =	vadd.s32 v11, v10;
	v11 =	vmov s31  }
0x44: {  	v5 =	vsub.s32 v5, v11;
	v11 =	vsel vm15, $0x1, v2;
	v10 =	vadd.s32 v60, v10  }
0x45: {  	v58 =	vsel vm10, v49, v16;
	v61 =	vsub.s32 $0x0, v5;
	v10 =	vadd.s32 v11, v10  }
0x46: {  	vm15 =	vlt.u32 v3, $0x8;
	v16 =	vmin.u32 v5, v61;
	v10 =	vadd.s32 v62, v10  }
0x47: {  	vm6 =	vgt.u32 v16, $0xB;
	vm7 =	vgt.u32 v16, $0xF;
	vm8 =	vgt.u32 v16, $0x16  }
0x48: {  	vm9 =	vgt.u32 v16, $0x1F;
	v4 =	vsel vm6, $0x9, v4;
	v11 =	vsel vm7, $0x1, v2  }
0x49: {  	vm10 =	vgt.u32 v16, $0x2D;
	v4 =	vadd.s32 v11, v4;
	v11 =	vsel vm8, $0x1, v2  }
0x4a: {  	s5 =	rddreg [dreg:$0x0];
	vm11 =	vgt.u32 v16, $0x3F;
	v4 =	vadd.s32 v11, v4;
	v11 =	vsel vm9, $0x1, v2  }
0x4b: {  	s7 =	rddreg [dreg:$0x1];
	s4 =	simm.s32 $0x0;
	vm12 =	vgt.u32 v16, $0x5A;
	v4 =	vadd.s32 v11, v4;
	v11 =	vsel vm10, $0x1, v2  }
0x4c: {  	[smem:$0x7FF] =	sst s4;
	v10 =	vadd.s32 v63, v10;
	v4 =	vadd.s32 v11, v4;
	v11 =	vsel vm11, $0x1, v2  }
0x4d: {  	s3 =	rddreg [dreg:$0x2];
	_ =	strace $0x80000047;
	[tilespmem:$0x0] =	vst v0;
	vm13 =	vlt.u32 v16, $0x8;
	v2 =	vsel vm12, $0x1, v2;
	v4 =	vadd.s32 v11, v4  }
0x4e: {  	[tilespmem:$0x20] =	vst v6;
	v2 =	vadd.s32 v2, v4;
	v4 =	vshrl.u32 v5, $0x1B;
	v5 =	vsel vm14, v17, v10  }
0x4f: {  	[tilespmem:$0x30] =	vst v7;
	v10 =	vshrl.u32 v15, $0x1B;
	v2 =	vsel vm13, v16, v2;
	v4 =	vand.u32 $0x10, v4  }
0x50: {  	[tilespmem:$0x40] =	vst v9;
	v10 =	vand.u32 $0x10, v10;
	v2 =	vadd.s32 v4, v2;
	v4 =	vshrl.u32 v13, $0x1B  }
0x51: {  	s8 =	ssub.s32 $0x2, s2;
	v11 =	vshrl.u32 v1, $0x1B;
	v1 =	vadd.s32 v10, v5;
	v4 =	vand.u32 $0x10, v4;
	[tilespmem:$0x70] =	vst v2  }
0x52: {  	s9 =	sshrl.u32 s8, $0x1;
	v5 =	vsel vm15, v3, v8;
	v8 =	vand.u32 $0x10, v11;
	[tilespmem:$0x60] =	vst v1;
	v3 =	vadd.s32 v4, v58  }
0x53: {  	s6 =	simm.s32 $0x1;
	s8 =	ssub.s32 s8, s9;
	v4 =	vadd.s32 v8, v5;
	[tilespmem:$0x50] =	vst v3  }
0x54: {  	s5 =	sadd.s32 $0x400, s5;
	s2 =	simm.s32 $0x80;
	s8 =	smax.u32 s8, $0x1;
	[tilespmem:$0x10] =	vst v4  }
0x55: {  	[tilespmem:s2], [sflag:$0x1] =	stream.indirect.gather [hbm4b:s5+s2], $0x10, s4, s2, $0xb8;
	[tilespmem:$0x880] =	vst v63  }
0x56: {  	p0 =	sne.s32 s8, $0x1;
	_ =	swait.ge [sflag:s6], $0x800  }
.Ltmp0:
0x57: {  	s1 =	sshll.u32 s1, $0x1;
	[sflag:s6] =	ssyncset.done $0x0;
	(pc) =	sbr.rel @!p0 .LBB2_2-.Ltmp0, $4  }
0x58: {  	s1 =	sadd.s32 s7, s1;
	s7 =	simm.s32 $0x2;
	[sflag:s6] =	ssyncadd.s32 $0xFFFFF800  }
0x59: {  	[hbm4b:s1+s4] =	stream.linear.scatter [tilespmem:s2], [sflag:$0x2], $0x800, $0x38;
	[tilespmem:$0x880] =	vst v63  }
0x5a: {  	_ =	swait.ge [sflag:s7], $0x800  }
0x5b: {  	s8 =	sadd.s32 $0xFFFFFFFF, s8;
	[sflag:s7] =	ssyncset.done $0x0  }
.LBB2_1:
0x5c: {  	p0 =	sne.s32 s8, $0x1;
	s8 =	sadd.s32 $0xFFFFFFFF, s8;
	[sflag:s7] =	ssyncadd.s32 $0xFFFFF800  }
0x5d: {  	[tilespmem:$0x20] =	vst v6  }
0x5e: {  	[tilespmem:$0x30] =	vst v7  }
0x5f: {  	[tilespmem:$0x40] =	vst v9  }
0x60: {  	[tilespmem:$0x0] =	vst v0  }
0x61: {  	[tilespmem:$0x70] =	vst v2  }
0x62: {  	[tilespmem:$0x60] =	vst v1  }
0x63: {  	[tilespmem:$0x50] =	vst v3  }
0x64: {  	[tilespmem:$0x10] =	vst v4  }
0x65: {  	[tilespmem:s2], [sflag:$0x1] =	stream.indirect.gather [hbm4b:s5+s2], $0x10, s4, s2, $0xb8;
	[tilespmem:$0x880] =	vst v63  }
0x66: {  	_ =	swait.ge [sflag:s6], $0x800  }
.Ltmp1:
0x67: {  	[sflag:s6] =	ssyncset.done $0x0;
	(pc) =	sbr.rel @p0 .LBB2_1-.Ltmp1, $4  }
0x68: {  	[sflag:s6] =	ssyncadd.s32 $0xFFFFF800  }
0x69: {  	[hbm4b:s1+s4] =	stream.linear.scatter [tilespmem:s2], [sflag:$0x2], $0x800, $0x38;
	[tilespmem:$0x880] =	vst v63  }
0x6a: {  	_ =	swait.ge [sflag:s7], $0x800  }
0x6b: {  	[sflag:s7] =	ssyncset.done $0x0  }
.LBB2_2:
0x6c: {  	[sflag:s7] =	ssyncadd.s32 $0xFFFFF800  }
0x6d: {  	_ =	sfence.sel $0x180000  }
0x6e: {  	[bflag:$0x0] =	sbarrier.arrive $0xFFFF  }
0x6f: {  	p0 =	sne.s32 s0, $0x0;
	_ =	strace $0x90000047  }
0x70: {  	s0 =	sadd.s32 @!p0 $0x100000, s3;
	[bflag:$0x2] =	sbarrier.arrive $0xFFFF  }
0x71: {  	[sflag:s0] =	ssyncadd.tile.s32 @!p0 $0x1;
	_ =	shalt  }
.Lfunc_end2:
_tile_overlayer_lowered:
.L_overlay_start_2:
0x72: {  	(tag) =	ssettag $0x2  }
0x73: {  	s0 =	rddreg [dreg:$0x0];
	s2 =	stileid.u32  }
0x74: {  	s1 =	rddreg [dreg:$0x1];
	p0 =	sne.s32 s2, $0x0  }
0x75: {  	s3 =	rddreg [dreg:$0x2];
	[bflag:$0x3] =	sbarrier.arrive $0xFFFF;
	s2 =	simm.s32 @!p0 $0x1C02  }
0x76: {  	[timem:s3], [sflag:s2] =	dma.local @!p0 [hbm:s0], s1  }
0x77: {  	s0 =	simm.s32 @!p0 $0x2  }
0x78: {  	_ =	swait.ge @!p0 [sflag:s0], s1  }
0x79: {  	s1 =	ssub.s32 @!p0 $0x0, s1;
	[sflag:s0] =	ssyncset.done @!p0 $0x0  }
0x7a: {  	[sflag:s0] =	ssyncadd.s32 @!p0 s1  }
0x7b: {  	[bflag:$0x3] =	sbarrier.arrive $0xFFFF  }
0x7c: {  	_ =	shalt  }

</sc_bundles>
